<compile_context>
chip_gen: v7x
topology: tpu7x:2x2x1
jax: 0.10.2.dev20260603
libtpu: 0.0.44.dev20260713+nightly
codegen_flags: <defaults>
</compile_context>

<pallas_src>
import functools

import jax
import jax.numpy as jnp
from jax import lax
from jax.experimental import pallas as pl
from jax.experimental.pallas import tpu as pltpu
from jax.experimental.pallas import tpu_sc as plsc

N = 100000
E = 1600000
C = 16
EPS = 1e-6
NEG_SLOPE = 0.2

NC = 2
NS = 16
L = 16

BG = 800
N_PAD = 100096
ROWS_PER_TILE = N_PAD // NS
ZB = 368
BLK_FULL = E // (NS * BG)
BLK_C2_SC0 = 63
BLK_C2_SC1 = 62
C2_SPLIT = BLK_C2_SC0 * NS * BG

BN = 2000


def _sc_pool_body(x3_hbm, edges_hbm, out_hbm,
                  ed_a, ed_b, rows_a, rows_b, acc_sh,
                  g_a, g_b, s_a, s_b):
    c = lax.axis_index("c")
    s = lax.axis_index("s")
    row0 = s * ROWS_PER_TILE

    def zero_fill():
        def zb(j, _):
            rows_a[j, :] = jnp.zeros((L,), jnp.float32)
            return 0
        lax.fori_loop(0, ZB, zb, 0)

    def clear_acc():
        def cb(p, _):
            pltpu.sync_copy(rows_a.at[pl.ds(0, ZB)],
                            acc_sh.at[pl.ds(row0 + p * ZB, ZB)])
            return 0
        lax.fori_loop(0, ROWS_PER_TILE // ZB, cb, 0)

    def accumulate(chunk, lo, nblk):
        table = x3_hbm.at[chunk]

        def stage_fire(q, edv, rowsv, gsem):
            off = lo + (s * nblk + q) * BG
            pltpu.sync_copy(edges_hbm.at[:, pl.ds(off, BG)], edv)
            pltpu.async_copy(table.at[edv.at[0]], rowsv, gsem)

        def wait_gather(edv, rowsv, gsem):
            pltpu.make_async_copy(table.at[edv.at[0]], rowsv, gsem).wait()

        def fire_scatter(rowsv, edv, ssem):
            pltpu.async_copy(rowsv, acc_sh.at[edv.at[1]], ssem, add=True)

        def wait_scatter(rowsv, edv, ssem):
            pltpu.make_async_copy(rowsv, acc_sh.at[edv.at[1]], ssem).wait()

        stage_fire(0, ed_a, rows_a, g_a)

        def body(q, _):
            nxt = q + 1
            q_even = lax.rem(q, 2) == 0
            has_nxt = nxt < nblk

            @pl.when(jnp.logical_and(has_nxt,
                                     jnp.logical_and(q_even, q > 0)))
            def _():
                wait_scatter(rows_b, ed_b, s_b)

            @pl.when(jnp.logical_and(has_nxt, jnp.logical_not(q_even)))
            def _():
                wait_scatter(rows_a, ed_a, s_a)

            @pl.when(jnp.logical_and(has_nxt, q_even))
            def _():
                stage_fire(nxt, ed_b, rows_b, g_b)

            @pl.when(jnp.logical_and(has_nxt, jnp.logical_not(q_even)))
            def _():
                stage_fire(nxt, ed_a, rows_a, g_a)

            @pl.when(q_even)
            def _():
                wait_gather(ed_a, rows_a, g_a)
                fire_scatter(rows_a, ed_a, s_a)

            @pl.when(jnp.logical_not(q_even))
            def _():
                wait_gather(ed_b, rows_b, g_b)
                fire_scatter(rows_b, ed_b, s_b)
            return 0
        lax.fori_loop(0, nblk, body, 0)
        wait_scatter(rows_a, ed_a, s_a)
        wait_scatter(rows_b, ed_b, s_b)

    def dump(slot):
        def db(p, _):
            r = row0 + p * ZB
            pltpu.sync_copy(acc_sh.at[pl.ds(r, ZB)],
                            out_hbm.at[slot, pl.ds(r, ZB), :])
            return 0
        lax.fori_loop(0, ROWS_PER_TILE // ZB, db, 0)

    zero_fill()
    clear_acc()
    plsc.subcore_barrier()
    accumulate(c, 0, BLK_FULL)
    plsc.subcore_barrier()
    dump(c)
    zero_fill()
    clear_acc()
    plsc.subcore_barrier()
    accumulate(2, c * C2_SPLIT, BLK_C2_SC0 - c)
    plsc.subcore_barrier()
    dump(2 + c)


def _sc_pool(x3, edges):
    mesh = plsc.VectorSubcoreMesh(core_axis_name="c", subcore_axis_name="s",
                                  num_cores=NC, num_subcores=NS)
    fn = pl.kernel(
        _sc_pool_body,
        out_type=jax.ShapeDtypeStruct((4, N_PAD, C), jnp.float32),
        mesh=mesh,
        scratch_types=[
            pltpu.VMEM((2, BG), jnp.int32),
            pltpu.VMEM((2, BG), jnp.int32),
            pltpu.VMEM((BG, C), jnp.float32),
            pltpu.VMEM((BG, C), jnp.float32),
            pltpu.VMEM_SHARED((N_PAD, C), jnp.float32),
            pltpu.SemaphoreType.DMA,
            pltpu.SemaphoreType.DMA,
            pltpu.SemaphoreType.DMA,
            pltpu.SemaphoreType.DMA,
        ],
        compiler_params=pltpu.CompilerParams(use_tc_tiling_on_sc=False),
    )
    return fn(x3, edges)


BNP = 736
NP = N // 8
NP_PAD = N_PAD // 8


def _dense_body(xt_ref, p_ref, wi_ref, wp_ref, wd_ref, b_ref, out_ref):
    wi = wi_ref[:]
    wp = wp_ref[:]
    wd = wd_ref[:]
    b = b_ref[0:1, :]
    hs = []
    ds = []
    dot = jnp.zeros((BNP, 128), jnp.float32)
    dn = jnp.zeros((BNP, 128), jnp.float32)
    for k in range(3):
        xk = xt_ref[k]
        pk = p_ref[k]
        if k == 2:
            pk = pk + p_ref[3]
        h = (jnp.dot(xk, wi, preferred_element_type=jnp.float32)
             + jnp.dot(pk, wp, preferred_element_type=jnp.float32) + b)
        d = jnp.dot(h, wd, preferred_element_type=jnp.float32)
        dot = dot + h * d
        dn = dn + d * d
        hs.append(h)
        ds.append(d)
    coef = jnp.where(dot >= 0, jnp.zeros_like(dot),
                     (1.0 - NEG_SLOPE) * dot / (dn + EPS))
    for k in range(3):
        out_ref[k] = xt_ref[k] + hs[k] - coef * ds[k]


def _dense(xtp, p4p, wi, wp, wd, b8):
    return pl.pallas_call(
        _dense_body,
        grid=((NP + BNP - 1) // BNP,),
        in_specs=[
            pl.BlockSpec((3, BNP, 128), lambda i: (0, i, 0)),
            pl.BlockSpec((4, BNP, 128), lambda i: (0, i, 0)),
            pl.BlockSpec((128, 128), lambda i: (0, 0)),
            pl.BlockSpec((128, 128), lambda i: (0, 0)),
            pl.BlockSpec((128, 128), lambda i: (0, 0)),
            pl.BlockSpec((8, 128), lambda i: (0, 0)),
        ],
        out_specs=pl.BlockSpec((3, BNP, 128), lambda i: (0, i, 0)),
        out_shape=jax.ShapeDtypeStruct((3, NP_PAD, 128), jnp.float32),
    )(xtp, p4p, wi, wp, wd, b8)


def kernel(x, edges, W_id, b_id, W_pool, b_pool, W_dir):
    xt = jnp.transpose(x, (1, 0, 2))
    p4 = _sc_pool(xt, edges)
    xtp = xt.reshape(3, NP, 128)
    p4p = p4.reshape(4, NP_PAD, 128)
    eye8 = jnp.eye(8, dtype=jnp.float32)
    wi = jnp.kron(eye8, W_id.T)
    wp = jnp.kron(eye8, W_pool.T)
    wd = jnp.kron(eye8, W_dir.T)
    b8 = jnp.broadcast_to(jnp.tile(b_id + b_pool, 8), (8, 128))
    out_p = _dense(xtp, p4p, wi, wp, wd, b8)
    out = jnp.transpose(out_p.reshape(3, N_PAD, C)[:, :N], (1, 0, 2))
    return (out, edges)

# --- scband reference (transcript-rebuilt; emitter-appended) ---
"""Pipeline reference for scband-vndeep-set-layer-27728308863737 (READ-ONLY COPY).

The authoritative reference and input builder live on the scoring server;
editing this copy changes nothing except your own understanding.
"""

import jax, jax.numpy as jnp
import numpy as np

N = 100000
E = 1600000
C = 16
EPS = 1e-6
NEG_SLOPE = 0.2


def setup_inputs(seed: int = 0) -> dict:
    key = jax.random.key(seed)
    ks = jax.random.split(key, 8)
    x = jax.random.normal(ks[0], (N, 3, C), dtype=jnp.float32)
    edges = jax.random.randint(ks[1], (2, E), 0, N, dtype=jnp.int32)
    s = 1.0 / np.sqrt(C)
    W_id = jax.random.uniform(ks[2], (C, C), dtype=jnp.float32, minval=-s, maxval=s)
    b_id = jax.random.uniform(ks[3], (C,), dtype=jnp.float32, minval=-s, maxval=s)
    W_pool = jax.random.uniform(ks[4], (C, C), dtype=jnp.float32, minval=-s, maxval=s)
    b_pool = jax.random.uniform(ks[5], (C,), dtype=jnp.float32, minval=-s, maxval=s)
    W_dir = jax.random.uniform(ks[6], (C, C), dtype=jnp.float32, minval=-s, maxval=s)
    return {"x": x, "edges": edges, "W_id": W_id, "b_id": b_id, "W_pool": W_pool, "b_pool": b_pool, "W_dir": W_dir}


def reference(x, edges, W_id, b_id, W_pool, b_pool, W_dir):
    e1 = edges[0]
    e2 = edges[1]
    # identity path: nn.Linear over last (channel) dim
    identity = x @ W_id.T + b_id
    # message passing: gather source nodes, scatter-sum to destination nodes
    nodes_1 = jnp.take(x, e1, axis=0)              # [E, 3, C]
    pooled_set = jax.ops.segment_sum(nodes_1, e2, num_segments=N)  # [N, 3, C]
    pooling = pooled_set @ W_pool.T + b_pool
    h = identity + pooling                           # [N, 3, C]
    # transpose(1, -1) -> [N, C, 3], apply VNLeakyReLU (share_nonlinearity=False)
    p = jnp.swapaxes(h, 1, -1)                       # [N, C, 3]
    # map_to_dir: linear over channel dim (no bias)
    d = jnp.swapaxes(jnp.swapaxes(p, 1, -1) @ W_dir.T, 1, -1)  # [N, C, 3]
    dotprod = jnp.sum(p * d, axis=2, keepdims=True)  # [N, C, 1]
    mask = (dotprod >= 0).astype(p.dtype)
    d_norm_sq = jnp.sum(d * d, axis=2, keepdims=True)
    p_out = NEG_SLOPE * p + (1.0 - NEG_SLOPE) * (
        mask * p + (1.0 - mask) * (p - (dotprod / (d_norm_sq + EPS)) * d)
    )
    out = jnp.swapaxes(p_out, 1, -1)                 # [N, 3, C]
    # dropout rate 0.0 (eval) is identity; residual connection
    out = out + x
    return (out, edges)

if __name__ == "__main__":
    import jax
    _d = setup_inputs()
    print(jax.jit(kernel)(*tuple(_d.values())))

</pallas_src>

<mosaic_0001>
#map = affine_map<(d0, d1) -> (0, 0, 0)>
#map1 = affine_map<(d0, d1) -> (0, 0)>
module attributes {stable_mosaic.version = 14 : i64} {
  func.func @_sc_pool_body(%arg0: i32, %arg1: i32, %arg2: memref<3x100000x16xf32, #tpu.memory_space<hbm>>, %arg3: memref<2x1600000xi32, #tpu.memory_space<hbm>>, %arg4: memref<4x100096x16xf32, #tpu.memory_space<hbm>>, %arg5: memref<2x800xi32, #tpu.memory_space<vmem>>, %arg6: memref<2x800xi32, #tpu.memory_space<vmem>>, %arg7: memref<800x16xf32, #tpu.memory_space<vmem>>, %arg8: memref<800x16xf32, #tpu.memory_space<vmem>>, %arg9: memref<100096x16xf32, #tpu.memory_space<vmem_shared>>, %arg10: memref<!tpu.dma_semaphore, #tpu.memory_space<semaphore_mem>>, %arg11: memref<!tpu.dma_semaphore, #tpu.memory_space<semaphore_mem>>, %arg12: memref<!tpu.dma_semaphore, #tpu.memory_space<semaphore_mem>>, %arg13: memref<!tpu.dma_semaphore, #tpu.memory_space<semaphore_mem>>) attributes {dimension_semantics = [#tpu.dimension_semantics<core_parallel>, #tpu.dimension_semantics<subcore_parallel>], iteration_bounds = array<i64: 2, 16>, scalar_prefetch = 0 : i64, scratch_operands = 9 : i64, tpu.core_type = #tpu.core_type<sc_vector_subcore>, window_params = [{transform_indices = #map}, {transform_indices = #map1}, {transform_indices = #map}]} {
    %mul3A = arith.constant 6256 : i32
    %mul3A_0 = arith.muli %arg1, %mul3A : i32
    %scan3A = arith.constant 0 : i32
    %scan3A_1 = arith.constant 0 : i32
    %scan3A_2 = arith.constant 368 : i32
    %scan3A_3 = arith.addi %scan3A_1, %scan3A_2 : i32
    %scan3A_4 = arith.constant 1 : i32
    %scan3A_5 = scf.for %scan3A_131 = %scan3A_1 to %scan3A_3 step %scan3A_4 iter_args(%scan3A_132 = %scan3A) -> (i32)  : i32 {
      %broadcast_in_dim3A = arith.constant 0.000000e+00 : f32
      %broadcast_in_dim3A_133 = vector.broadcast %broadcast_in_dim3A : f32 to vector<16xf32>
      %swap3A = arith.index_cast %scan3A_131 : i32 to index
      %swap3A_134 = arith.constant 0 : index
      %swap3A_135 = tpu.vector_load %arg7[%swap3A, %swap3A_134] {strides = array<i32>} : memref<800x16xf32, #tpu.memory_space<vmem>>, vector<1x16xf32>,
      %swap3A_136 = vector.shape_cast %swap3A_135 : vector<1x16xf32> to vector<16xf32>
      %swap3A_137 = vector.shape_cast %broadcast_in_dim3A_133 : vector<16xf32> to vector<1x16xf32>
      tpu.vector_store %arg7[%swap3A, %swap3A_134], %swap3A_137 {strides = array<i32>} : memref<800x16xf32, #tpu.memory_space<vmem>>, vector<1x16xf32>,
      %scan3A_138 = arith.constant 0 : i32
      scf.yield %scan3A_138 : i32
    }
    %scan3A_6 = arith.constant 368 : i32
    %scan3A_7 = arith.constant 0 : i32
    %scan3A_8 = arith.constant 0 : i32
    %scan3A_9 = arith.constant 17 : i32
    %scan3A_10 = arith.addi %scan3A_8, %scan3A_9 : i32
    %scan3A_11 = arith.constant 1 : i32
    %scan3A_12 = scf.for %scan3A_131 = %scan3A_8 to %scan3A_10 step %scan3A_11 iter_args(%scan3A_132 = %scan3A_7) -> (i32)  : i32 {
      %mul3A_133 = arith.constant 368 : i32
      %mul3A_134 = arith.muli %scan3A_131, %mul3A_133 : i32
      %add3A_135 = arith.addi %mul3A_0, %mul3A_134 : i32
      "tpu.region"() ({
        %run_scoped3A = tpu.sem_alloc : memref<!tpu.dma_semaphore, #tpu.memory_space<semaphore_mem>>
        %dma_start3A_137 = arith.constant 0 : i32
        %dma_start3A_138 = arith.constant 0 : i32
        %dma_start3A_139 = tpu.memref_slice %arg7[%dma_start3A_137, %dma_start3A_138] : memref<800x16xf32, #tpu.memory_space<vmem>> -> memref<368x16xf32, #tpu.memory_space<vmem>>
        %dma_start3A_140 = arith.constant 0 : i32
        %dma_start3A_141 = tpu.memref_slice %arg9[%add3A_135, %dma_start3A_140] : memref<100096x16xf32, #tpu.memory_space<vmem_shared>> -> memref<368x16xf32, #tpu.memory_space<vmem_shared>>
        %dma_start3A_142 = arith.constant 0 : i32
        %dma_start3A_143 = tpu.memref_slice %arg9[%add3A_135, %dma_start3A_142] : memref<100096x16xf32, #tpu.memory_space<vmem_shared>> -> memref<368x16xf32, #tpu.memory_space<vmem_shared>>
        %dma_start3A_144 = arith.constant 0 : i32
        %dma_start3A_145 = arith.constant 0 : i32
        %dma_start3A_146 = tpu.memref_slice %arg7[%dma_start3A_144, %dma_start3A_145] : memref<800x16xf32, #tpu.memory_space<vmem>> -> memref<368x16xf32, #tpu.memory_space<vmem>>
        tpu.enqueue_dma source(%dma_start3A_146 : memref<368x16xf32, #tpu.memory_space<vmem>>) target(%dma_start3A_143 : memref<368x16xf32, #tpu.memory_space<vmem_shared>>) target_semaphore(%run_scoped3A : memref<!tpu.dma_semaphore, #tpu.memory_space<semaphore_mem>>)
        %dma_wait3A_147 = arith.constant 0 : i32
        %dma_wait3A_148 = arith.constant 0 : i32
        %dma_wait3A_149 = tpu.memref_slice %arg7[%dma_wait3A_147, %dma_wait3A_148] : memref<800x16xf32, #tpu.memory_space<vmem>> -> memref<368x16xf32, #tpu.memory_space<vmem>>
        %dma_wait3A_150 = arith.constant 0 : i32
        %dma_wait3A_151 = tpu.memref_slice %arg9[%add3A_135, %dma_wait3A_150] : memref<100096x16xf32, #tpu.memory_space<vmem_shared>> -> memref<368x16xf32, #tpu.memory_space<vmem_shared>>
        %dma_wait3A_152 = arith.constant 0 : i32
        %dma_wait3A_153 = tpu.memref_slice %arg9[%add3A_135, %dma_wait3A_152] : memref<100096x16xf32, #tpu.memory_space<vmem_shared>> -> memref<368x16xf32, #tpu.memory_space<vmem_shared>>
        %dma_wait3A_154 = arith.constant 0 : i32
        %dma_wait3A_155 = arith.constant 0 : i32
        %dma_wait3A_156 = tpu.memref_slice %arg7[%dma_wait3A_154, %dma_wait3A_155] : memref<800x16xf32, #tpu.memory_space<vmem>> -> memref<368x16xf32, #tpu.memory_space<vmem>>
        tpu.wait_dma2 semaphore(%run_scoped3A : memref<!tpu.dma_semaphore, #tpu.memory_space<semaphore_mem>>) src(%dma_wait3A_156 : memref<368x16xf32, #tpu.memory_space<vmem>>) dst(%dma_wait3A_153 : memref<368x16xf32, #tpu.memory_space<vmem_shared>>)
        tpu.yield
      }) : () -> ()
      %scan3A_136 = arith.constant 0 : i32
      scf.yield %scan3A_136 : i32
    }
    %scan3A_13 = arith.constant 17 : i32
    %barrier3A = arith.constant 0 : index
    tpu.barrier barrier_id(%barrier3A)
    %mul3A_14 = arith.constant 125 : i32
    %mul3A_15 = arith.muli %arg1, %mul3A_14 : i32
    %add3A = arith.constant 0 : i32
    %add3A_16 = arith.addi %mul3A_15, %add3A : i32
    %mul3A_17 = arith.constant 800 : i32
    %mul3A_18 = arith.muli %add3A_16, %mul3A_17 : i32
    %add3A_19 = arith.constant 0 : i32
    %add3A_20 = arith.addi %add3A_19, %mul3A_18 : i32
    "tpu.region"() ({
      %run_scoped3A = tpu.sem_alloc : memref<!tpu.dma_semaphore, #tpu.memory_space<semaphore_mem>>
      %dma_start3A_131 = arith.constant 0 : i32
      %dma_start3A_132 = tpu.memref_slice %arg3[%dma_start3A_131, %add3A_20] : memref<2x1600000xi32, #tpu.memory_space<hbm>> -> memref<2x800xi32, #tpu.memory_space<hbm>>
      %dma_start3A_133 = arith.constant 0 : i32
      %dma_start3A_134 = tpu.memref_slice %arg3[%dma_start3A_133, %add3A_20] : memref<2x1600000xi32, #tpu.memory_space<hbm>> -> memref<2x800xi32, #tpu.memory_space<hbm>>
      tpu.enqueue_dma source(%dma_start3A_134 : memref<2x800xi32, #tpu.memory_space<hbm>>) target(%arg5 : memref<2x800xi32, #tpu.memory_space<vmem>>) target_semaphore(%run_scoped3A : memref<!tpu.dma_semaphore, #tpu.memory_space<semaphore_mem>>)
      %dma_wait3A_135 = arith.constant 0 : i32
      %dma_wait3A_136 = tpu.memref_slice %arg3[%dma_wait3A_135, %add3A_20] : memref<2x1600000xi32, #tpu.memory_space<hbm>> -> memref<2x800xi32, #tpu.memory_space<hbm>>
      %dma_wait3A_137 = arith.constant 0 : i32
      %dma_wait3A_138 = tpu.memref_slice %arg3[%dma_wait3A_137, %add3A_20] : memref<2x1600000xi32, #tpu.memory_space<hbm>> -> memref<2x800xi32, #tpu.memory_space<hbm>>
      tpu.wait_dma2 semaphore(%run_scoped3A : memref<!tpu.dma_semaphore, #tpu.memory_space<semaphore_mem>>) src(%dma_wait3A_138 : memref<2x800xi32, #tpu.memory_space<hbm>>) dst(%arg5 : memref<2x800xi32, #tpu.memory_space<vmem>>)
      tpu.yield
    }) : () -> ()
    %dma_start3A = arith.constant 0 : i32
    %dma_start3A_21 = arith.constant 0 : i32
    %dma_start3A_22 = tpu.memref_slice %arg5[%dma_start3A, %dma_start3A_21] : memref<2x800xi32, #tpu.memory_space<vmem>> -> memref<1x800xi32, #tpu.memory_space<vmem>>
    %dma_start3A_23 = tpu.memref_squeeze %dma_start3A_22 : memref<1x800xi32, #tpu.memory_space<vmem>> -> memref<800xi32, #tpu.memory_space<vmem>>
    %dma_start3A_24 = arith.constant 0 : i32
    %dma_start3A_25 = arith.constant 0 : i32
    %dma_start3A_26 = tpu.memref_slice %arg2[%arg0, %dma_start3A_24, %dma_start3A_25] : memref<3x100000x16xf32, #tpu.memory_space<hbm>> -> memref<1x100000x16xf32, #tpu.memory_space<hbm>>
    %dma_start3A_27 = tpu.memref_squeeze %dma_start3A_26 : memref<1x100000x16xf32, #tpu.memory_space<hbm>> -> memref<100000x16xf32, #tpu.memory_space<hbm>>
    %dma_start3A_28 = arith.constant 0 : i32
    %dma_start3A_29 = arith.constant 0 : i32
    %dma_start3A_30 = tpu.memref_slice %dma_start3A_27[%dma_start3A_28, %dma_start3A_29] : memref<100000x16xf32, #tpu.memory_space<hbm>> -> memref<100000x16xf32, #tpu.memory_space<hbm>>
    tpu.enqueue_indirect_dma source(%dma_start3A_30 : memref<100000x16xf32, #tpu.memory_space<hbm>>) target(%arg7 : memref<800x16xf32, #tpu.memory_space<vmem>>) offsets(%dma_start3A_23 : memref<800xi32, #tpu.memory_space<vmem>>) semaphore(%arg10 : memref<!tpu.dma_semaphore, #tpu.memory_space<semaphore_mem>>)
    %scan3A_31 = arith.constant 0 : i32
    %scan3A_32 = arith.constant 0 : i32
    %scan3A_33 = arith.constant 125 : i32
    %scan3A_34 = arith.addi %scan3A_32, %scan3A_33 : i32
    %scan3A_35 = arith.constant 1 : i32
    %scan3A_36 = scf.for %scan3A_131 = %scan3A_32 to %scan3A_34 step %scan3A_35 iter_args(%scan3A_132 = %scan3A_31) -> (i32)  : i32 {
      %add3A_133 = arith.constant 1 : i32
      %add3A_134 = arith.addi %scan3A_131, %add3A_133 : i32
      %rem3A = arith.constant 2 : i32
      %rem3A_135 = arith.remsi %scan3A_131, %rem3A : i32
      %eq3A = arith.constant 0 : i32
      %eq3A_136 = arith.cmpi eq, %rem3A_135, %eq3A : i32
      %lt3A = arith.constant 125 : i32
      %lt3A_137 = arith.cmpi slt, %add3A_134, %lt3A : i32
      %gt3A = arith.constant 0 : i32
      %gt3A_138 = arith.cmpi sgt, %scan3A_131, %gt3A : i32
      %and3A = arith.andi %eq3A_136, %gt3A_138 : i1
      %and3A_139 = arith.andi %lt3A_137, %and3A : i1
      %convert_element_type3A = arith.extui %and3A_139 : i1 to i32
      %cond3A = arith.constant 0 : i32
      %cond3A_140 = arith.cmpi ne, %convert_element_type3A, %cond3A : i32
      scf.if %cond3A_140 {
        %dma_wait3A_165 = arith.constant 1 : i32
        %dma_wait3A_166 = arith.constant 0 : i32
        %dma_wait3A_167 = tpu.memref_slice %arg6[%dma_wait3A_165, %dma_wait3A_166] : memref<2x800xi32, #tpu.memory_space<vmem>> -> memref<1x800xi32, #tpu.memory_space<vmem>>
        %dma_wait3A_168 = tpu.memref_squeeze %dma_wait3A_167 : memref<1x800xi32, #tpu.memory_space<vmem>> -> memref<800xi32, #tpu.memory_space<vmem>>
        %dma_wait3A_169 = arith.constant 0 : i32
        %dma_wait3A_170 = arith.constant 0 : i32
        %dma_wait3A_171 = tpu.memref_slice %arg9[%dma_wait3A_169, %dma_wait3A_170] : memref<100096x16xf32, #tpu.memory_space<vmem_shared>> -> memref<100096x16xf32, #tpu.memory_space<vmem_shared>>
        tpu.wait_indirect_dma semaphore(%arg13 : memref<!tpu.dma_semaphore, #tpu.memory_space<semaphore_mem>>) src(%arg8 : memref<800x16xf32, #tpu.memory_space<vmem>>) dst(%dma_wait3A_171 : memref<100096x16xf32, #tpu.memory_space<vmem_shared>>)
      } else {
      }
      %not3A = arith.constant true
      %not3A_141 = arith.xori %eq3A_136, %not3A : i1
      %and3A_142 = arith.andi %lt3A_137, %not3A_141 : i1
      %convert_element_type3A_143 = arith.extui %and3A_142 : i1 to i32
      %cond3A_144 = arith.constant 0 : i32
      %cond3A_145 = arith.cmpi ne, %convert_element_type3A_143, %cond3A_144 : i32
      scf.if %cond3A_145 {
        %dma_wait3A_165 = arith.constant 1 : i32
        %dma_wait3A_166 = arith.constant 0 : i32
        %dma_wait3A_167 = tpu.memref_slice %arg5[%dma_wait3A_165, %dma_wait3A_166] : memref<2x800xi32, #tpu.memory_space<vmem>> -> memref<1x800xi32, #tpu.memory_space<vmem>>
        %dma_wait3A_168 = tpu.memref_squeeze %dma_wait3A_167 : memref<1x800xi32, #tpu.memory_space<vmem>> -> memref<800xi32, #tpu.memory_space<vmem>>
        %dma_wait3A_169 = arith.constant 0 : i32
        %dma_wait3A_170 = arith.constant 0 : i32
        %dma_wait3A_171 = tpu.memref_slice %arg9[%dma_wait3A_169, %dma_wait3A_170] : memref<100096x16xf32, #tpu.memory_space<vmem_shared>> -> memref<100096x16xf32, #tpu.memory_space<vmem_shared>>
        tpu.wait_indirect_dma semaphore(%arg12 : memref<!tpu.dma_semaphore, #tpu.memory_space<semaphore_mem>>) src(%arg7 : memref<800x16xf32, #tpu.memory_space<vmem>>) dst(%dma_wait3A_171 : memref<100096x16xf32, #tpu.memory_space<vmem_shared>>)
      } else {
      }
      %and3A_146 = arith.andi %lt3A_137, %eq3A_136 : i1
      %convert_element_type3A_147 = arith.extui %and3A_146 : i1 to i32
      %cond3A_148 = arith.constant 0 : i32
      %cond3A_149 = arith.cmpi ne, %convert_element_type3A_147, %cond3A_148 : i32
      scf.if %cond3A_149 {
        %mul3A_165 = arith.constant 125 : i32
        %mul3A_166 = arith.muli %arg1, %mul3A_165 : i32
        %add3A_167 = arith.addi %mul3A_166, %add3A_134 : i32
        %mul3A_168 = arith.constant 800 : i32
        %mul3A_169 = arith.muli %add3A_167, %mul3A_168 : i32
        %add3A_170 = arith.constant 0 : i32
        %add3A_171 = arith.addi %add3A_170, %mul3A_169 : i32
        "tpu.region"() ({
          %run_scoped3A = tpu.sem_alloc : memref<!tpu.dma_semaphore, #tpu.memory_space<semaphore_mem>>
          %dma_start3A_183 = arith.constant 0 : i32
          %dma_start3A_184 = tpu.memref_slice %arg3[%dma_start3A_183, %add3A_171] : memref<2x1600000xi32, #tpu.memory_space<hbm>> -> memref<2x800xi32, #tpu.memory_space<hbm>>
          %dma_start3A_185 = arith.constant 0 : i32
          %dma_start3A_186 = tpu.memref_slice %arg3[%dma_start3A_185, %add3A_171] : memref<2x1600000xi32, #tpu.memory_space<hbm>> -> memref<2x800xi32, #tpu.memory_space<hbm>>
          tpu.enqueue_dma source(%dma_start3A_186 : memref<2x800xi32, #tpu.memory_space<hbm>>) target(%arg6 : memref<2x800xi32, #tpu.memory_space<vmem>>) target_semaphore(%run_scoped3A : memref<!tpu.dma_semaphore, #tpu.memory_space<semaphore_mem>>)
          %dma_wait3A_187 = arith.constant 0 : i32
          %dma_wait3A_188 = tpu.memref_slice %arg3[%dma_wait3A_187, %add3A_171] : memref<2x1600000xi32, #tpu.memory_space<hbm>> -> memref<2x800xi32, #tpu.memory_space<hbm>>
          %dma_wait3A_189 = arith.constant 0 : i32
          %dma_wait3A_190 = tpu.memref_slice %arg3[%dma_wait3A_189, %add3A_171] : memref<2x1600000xi32, #tpu.memory_space<hbm>> -> memref<2x800xi32, #tpu.memory_space<hbm>>
          tpu.wait_dma2 semaphore(%run_scoped3A : memref<!tpu.dma_semaphore, #tpu.memory_space<semaphore_mem>>) src(%dma_wait3A_190 : memref<2x800xi32, #tpu.memory_space<hbm>>) dst(%arg6 : memref<2x800xi32, #tpu.memory_space<vmem>>)
          tpu.yield
        }) : () -> ()
        %dma_start3A_172 = arith.constant 0 : i32
        %dma_start3A_173 = arith.constant 0 : i32
        %dma_start3A_174 = tpu.memref_slice %arg6[%dma_start3A_172, %dma_start3A_173] : memref<2x800xi32, #tpu.memory_space<vmem>> -> memref<1x800xi32, #tpu.memory_space<vmem>>
        %dma_start3A_175 = tpu.memref_squeeze %dma_start3A_174 : memref<1x800xi32, #tpu.memory_space<vmem>> -> memref<800xi32, #tpu.memory_space<vmem>>
        %dma_start3A_176 = arith.constant 0 : i32
        %dma_start3A_177 = arith.constant 0 : i32
        %dma_start3A_178 = tpu.memref_slice %arg2[%arg0, %dma_start3A_176, %dma_start3A_177] : memref<3x100000x16xf32, #tpu.memory_space<hbm>> -> memref<1x100000x16xf32, #tpu.memory_space<hbm>>
        %dma_start3A_179 = tpu.memref_squeeze %dma_start3A_178 : memref<1x100000x16xf32, #tpu.memory_space<hbm>> -> memref<100000x16xf32, #tpu.memory_space<hbm>>
        %dma_start3A_180 = arith.constant 0 : i32
        %dma_start3A_181 = arith.constant 0 : i32
        %dma_start3A_182 = tpu.memref_slice %dma_start3A_179[%dma_start3A_180, %dma_start3A_181] : memref<100000x16xf32, #tpu.memory_space<hbm>> -> memref<100000x16xf32, #tpu.memory_space<hbm>>
        tpu.enqueue_indirect_dma source(%dma_start3A_182 : memref<100000x16xf32, #tpu.memory_space<hbm>>) target(%arg8 : memref<800x16xf32, #tpu.memory_space<vmem>>) offsets(%dma_start3A_175 : memref<800xi32, #tpu.memory_space<vmem>>) semaphore(%arg11 : memref<!tpu.dma_semaphore, #tpu.memory_space<semaphore_mem>>)
      } else {
      }
      %not3A_150 = arith.constant true
      %not3A_151 = arith.xori %eq3A_136, %not3A_150 : i1
      %and3A_152 = arith.andi %lt3A_137, %not3A_151 : i1
      %convert_element_type3A_153 = arith.extui %and3A_152 : i1 to i32
      %cond3A_154 = arith.constant 0 : i32
      %cond3A_155 = arith.cmpi ne, %convert_element_type3A_153, %cond3A_154 : i32
      scf.if %cond3A_155 {
        %mul3A_165 = arith.constant 125 : i32
        %mul3A_166 = arith.muli %arg1, %mul3A_165 : i32
        %add3A_167 = arith.addi %mul3A_166, %add3A_134 : i32
        %mul3A_168 = arith.constant 800 : i32
        %mul3A_169 = arith.muli %add3A_167, %mul3A_168 : i32
        %add3A_170 = arith.constant 0 : i32
        %add3A_171 = arith.addi %add3A_170, %mul3A_169 : i32
        "tpu.region"() ({
          %run_scoped3A = tpu.sem_alloc : memref<!tpu.dma_semaphore, #tpu.memory_space<semaphore_mem>>
          %dma_start3A_183 = arith.constant 0 : i32
          %dma_start3A_184 = tpu.memref_slice %arg3[%dma_start3A_183, %add3A_171] : memref<2x1600000xi32, #tpu.memory_space<hbm>> -> memref<2x800xi32, #tpu.memory_space<hbm>>
          %dma_start3A_185 = arith.constant 0 : i32
          %dma_start3A_186 = tpu.memref_slice %arg3[%dma_start3A_185, %add3A_171] : memref<2x1600000xi32, #tpu.memory_space<hbm>> -> memref<2x800xi32, #tpu.memory_space<hbm>>
          tpu.enqueue_dma source(%dma_start3A_186 : memref<2x800xi32, #tpu.memory_space<hbm>>) target(%arg5 : memref<2x800xi32, #tpu.memory_space<vmem>>) target_semaphore(%run_scoped3A : memref<!tpu.dma_semaphore, #tpu.memory_space<semaphore_mem>>)
          %dma_wait3A_187 = arith.constant 0 : i32
          %dma_wait3A_188 = tpu.memref_slice %arg3[%dma_wait3A_187, %add3A_171] : memref<2x1600000xi32, #tpu.memory_space<hbm>> -> memref<2x800xi32, #tpu.memory_space<hbm>>
          %dma_wait3A_189 = arith.constant 0 : i32
          %dma_wait3A_190 = tpu.memref_slice %arg3[%dma_wait3A_189, %add3A_171] : memref<2x1600000xi32, #tpu.memory_space<hbm>> -> memref<2x800xi32, #tpu.memory_space<hbm>>
          tpu.wait_dma2 semaphore(%run_scoped3A : memref<!tpu.dma_semaphore, #tpu.memory_space<semaphore_mem>>) src(%dma_wait3A_190 : memref<2x800xi32, #tpu.memory_space<hbm>>) dst(%arg5 : memref<2x800xi32, #tpu.memory_space<vmem>>)
          tpu.yield
        }) : () -> ()
        %dma_start3A_172 = arith.constant 0 : i32
        %dma_start3A_173 = arith.constant 0 : i32
        %dma_start3A_174 = tpu.memref_slice %arg5[%dma_start3A_172, %dma_start3A_173] : memref<2x800xi32, #tpu.memory_space<vmem>> -> memref<1x800xi32, #tpu.memory_space<vmem>>
        %dma_start3A_175 = tpu.memref_squeeze %dma_start3A_174 : memref<1x800xi32, #tpu.memory_space<vmem>> -> memref<800xi32, #tpu.memory_space<vmem>>
        %dma_start3A_176 = arith.constant 0 : i32
        %dma_start3A_177 = arith.constant 0 : i32
        %dma_start3A_178 = tpu.memref_slice %arg2[%arg0, %dma_start3A_176, %dma_start3A_177] : memref<3x100000x16xf32, #tpu.memory_space<hbm>> -> memref<1x100000x16xf32, #tpu.memory_space<hbm>>
        %dma_start3A_179 = tpu.memref_squeeze %dma_start3A_178 : memref<1x100000x16xf32, #tpu.memory_space<hbm>> -> memref<100000x16xf32, #tpu.memory_space<hbm>>
        %dma_start3A_180 = arith.constant 0 : i32
        %dma_start3A_181 = arith.constant 0 : i32
        %dma_start3A_182 = tpu.memref_slice %dma_start3A_179[%dma_start3A_180, %dma_start3A_181] : memref<100000x16xf32, #tpu.memory_space<hbm>> -> memref<100000x16xf32, #tpu.memory_space<hbm>>
        tpu.enqueue_indirect_dma source(%dma_start3A_182 : memref<100000x16xf32, #tpu.memory_space<hbm>>) target(%arg7 : memref<800x16xf32, #tpu.memory_space<vmem>>) offsets(%dma_start3A_175 : memref<800xi32, #tpu.memory_space<vmem>>) semaphore(%arg10 : memref<!tpu.dma_semaphore, #tpu.memory_space<semaphore_mem>>)
      } else {
      }
      %convert_element_type3A_156 = arith.extui %eq3A_136 : i1 to i32
      %cond3A_157 = arith.constant 0 : i32
      %cond3A_158 = arith.cmpi ne, %convert_element_type3A_156, %cond3A_157 : i32
      scf.if %cond3A_158 {
        %dma_wait3A_165 = arith.constant 0 : i32
        %dma_wait3A_166 = arith.constant 0 : i32
        %dma_wait3A_167 = tpu.memref_slice %arg5[%dma_wait3A_165, %dma_wait3A_166] : memref<2x800xi32, #tpu.memory_space<vmem>> -> memref<1x800xi32, #tpu.memory_space<vmem>>
        %dma_wait3A_168 = tpu.memref_squeeze %dma_wait3A_167 : memref<1x800xi32, #tpu.memory_space<vmem>> -> memref<800xi32, #tpu.memory_space<vmem>>
        %dma_wait3A_169 = arith.constant 0 : i32
        %dma_wait3A_170 = arith.constant 0 : i32
        %dma_wait3A_171 = tpu.memref_slice %arg2[%arg0, %dma_wait3A_169, %dma_wait3A_170] : memref<3x100000x16xf32, #tpu.memory_space<hbm>> -> memref<1x100000x16xf32, #tpu.memory_space<hbm>>
        %dma_wait3A_172 = tpu.memref_squeeze %dma_wait3A_171 : memref<1x100000x16xf32, #tpu.memory_space<hbm>> -> memref<100000x16xf32, #tpu.memory_space<hbm>>
        %dma_wait3A_173 = arith.constant 0 : i32
        %dma_wait3A_174 = arith.constant 0 : i32
        %dma_wait3A_175 = tpu.memref_slice %dma_wait3A_172[%dma_wait3A_173, %dma_wait3A_174] : memref<100000x16xf32, #tpu.memory_space<hbm>> -> memref<100000x16xf32, #tpu.memory_space<hbm>>
        tpu.wait_indirect_dma semaphore(%arg10 : memref<!tpu.dma_semaphore, #tpu.memory_space<semaphore_mem>>) src(%dma_wait3A_175 : memref<100000x16xf32, #tpu.memory_space<hbm>>) dst(%arg7 : memref<800x16xf32, #tpu.memory_space<vmem>>)
        %dma_start3A_176 = arith.constant 1 : i32
        %dma_start3A_177 = arith.constant 0 : i32
        %dma_start3A_178 = tpu.memref_slice %arg5[%dma_start3A_176, %dma_start3A_177] : memref<2x800xi32, #tpu.memory_space<vmem>> -> memref<1x800xi32, #tpu.memory_space<vmem>>
        %dma_start3A_179 = tpu.memref_squeeze %dma_start3A_178 : memref<1x800xi32, #tpu.memory_space<vmem>> -> memref<800xi32, #tpu.memory_space<vmem>>
        %dma_start3A_180 = arith.constant 0 : i32
        %dma_start3A_181 = arith.constant 0 : i32
        %dma_start3A_182 = tpu.memref_slice %arg9[%dma_start3A_180, %dma_start3A_181] : memref<100096x16xf32, #tpu.memory_space<vmem_shared>> -> memref<100096x16xf32, #tpu.memory_space<vmem_shared>>
        tpu.enqueue_indirect_dma source(%arg7 : memref<800x16xf32, #tpu.memory_space<vmem>>) target(%dma_start3A_182 : memref<100096x16xf32, #tpu.memory_space<vmem_shared>>) offsets(%dma_start3A_179 : memref<800xi32, #tpu.memory_space<vmem>>) semaphore(%arg12 : memref<!tpu.dma_semaphore, #tpu.memory_space<semaphore_mem>>) {add = true}
      } else {
      }
      %not3A_159 = arith.constant true
      %not3A_160 = arith.xori %eq3A_136, %not3A_159 : i1
      %convert_element_type3A_161 = arith.extui %not3A_160 : i1 to i32
      %cond3A_162 = arith.constant 0 : i32
      %cond3A_163 = arith.cmpi ne, %convert_element_type3A_161, %cond3A_162 : i32
      scf.if %cond3A_163 {
        %dma_wait3A_165 = arith.constant 0 : i32
        %dma_wait3A_166 = arith.constant 0 : i32
        %dma_wait3A_167 = tpu.memref_slice %arg6[%dma_wait3A_165, %dma_wait3A_166] : memref<2x800xi32, #tpu.memory_space<vmem>> -> memref<1x800xi32, #tpu.memory_space<vmem>>
        %dma_wait3A_168 = tpu.memref_squeeze %dma_wait3A_167 : memref<1x800xi32, #tpu.memory_space<vmem>> -> memref<800xi32, #tpu.memory_space<vmem>>
        %dma_wait3A_169 = arith.constant 0 : i32
        %dma_wait3A_170 = arith.constant 0 : i32
        %dma_wait3A_171 = tpu.memref_slice %arg2[%arg0, %dma_wait3A_169, %dma_wait3A_170] : memref<3x100000x16xf32, #tpu.memory_space<hbm>> -> memref<1x100000x16xf32, #tpu.memory_space<hbm>>
        %dma_wait3A_172 = tpu.memref_squeeze %dma_wait3A_171 : memref<1x100000x16xf32, #tpu.memory_space<hbm>> -> memref<100000x16xf32, #tpu.memory_space<hbm>>
        %dma_wait3A_173 = arith.constant 0 : i32
        %dma_wait3A_174 = arith.constant 0 : i32
        %dma_wait3A_175 = tpu.memref_slice %dma_wait3A_172[%dma_wait3A_173, %dma_wait3A_174] : memref<100000x16xf32, #tpu.memory_space<hbm>> -> memref<100000x16xf32, #tpu.memory_space<hbm>>
        tpu.wait_indirect_dma semaphore(%arg11 : memref<!tpu.dma_semaphore, #tpu.memory_space<semaphore_mem>>) src(%dma_wait3A_175 : memref<100000x16xf32, #tpu.memory_space<hbm>>) dst(%arg8 : memref<800x16xf32, #tpu.memory_space<vmem>>)
        %dma_start3A_176 = arith.constant 1 : i32
        %dma_start3A_177 = arith.constant 0 : i32
        %dma_start3A_178 = tpu.memref_slice %arg6[%dma_start3A_176, %dma_start3A_177] : memref<2x800xi32, #tpu.memory_space<vmem>> -> memref<1x800xi32, #tpu.memory_space<vmem>>
        %dma_start3A_179 = tpu.memref_squeeze %dma_start3A_178 : memref<1x800xi32, #tpu.memory_space<vmem>> -> memref<800xi32, #tpu.memory_space<vmem>>
        %dma_start3A_180 = arith.constant 0 : i32
        %dma_start3A_181 = arith.constant 0 : i32
        %dma_start3A_182 = tpu.memref_slice %arg9[%dma_start3A_180, %dma_start3A_181] : memref<100096x16xf32, #tpu.memory_space<vmem_shared>> -> memref<100096x16xf32, #tpu.memory_space<vmem_shared>>
        tpu.enqueue_indirect_dma source(%arg8 : memref<800x16xf32, #tpu.memory_space<vmem>>) target(%dma_start3A_182 : memref<100096x16xf32, #tpu.memory_space<vmem_shared>>) offsets(%dma_start3A_179 : memref<800xi32, #tpu.memory_space<vmem>>) semaphore(%arg13 : memref<!tpu.dma_semaphore, #tpu.memory_space<semaphore_mem>>) {add = true}
      } else {
      }
      %scan3A_164 = arith.constant 0 : i32
      scf.yield %scan3A_164 : i32
    }
    %scan3A_37 = arith.constant 125 : i32
    %dma_wait3A = arith.constant 1 : i32
    %dma_wait3A_38 = arith.constant 0 : i32
    %dma_wait3A_39 = tpu.memref_slice %arg5[%dma_wait3A, %dma_wait3A_38] : memref<2x800xi32, #tpu.memory_space<vmem>> -> memref<1x800xi32, #tpu.memory_space<vmem>>
    %dma_wait3A_40 = tpu.memref_squeeze %dma_wait3A_39 : memref<1x800xi32, #tpu.memory_space<vmem>> -> memref<800xi32, #tpu.memory_space<vmem>>
    %dma_wait3A_41 = arith.constant 0 : i32
    %dma_wait3A_42 = arith.constant 0 : i32
    %dma_wait3A_43 = tpu.memref_slice %arg9[%dma_wait3A_41, %dma_wait3A_42] : memref<100096x16xf32, #tpu.memory_space<vmem_shared>> -> memref<100096x16xf32, #tpu.memory_space<vmem_shared>>
    tpu.wait_indirect_dma semaphore(%arg12 : memref<!tpu.dma_semaphore, #tpu.memory_space<semaphore_mem>>) src(%arg7 : memref<800x16xf32, #tpu.memory_space<vmem>>) dst(%dma_wait3A_43 : memref<100096x16xf32, #tpu.memory_space<vmem_shared>>)
    %dma_wait3A_44 = arith.constant 1 : i32
    %dma_wait3A_45 = arith.constant 0 : i32
    %dma_wait3A_46 = tpu.memref_slice %arg6[%dma_wait3A_44, %dma_wait3A_45] : memref<2x800xi32, #tpu.memory_space<vmem>> -> memref<1x800xi32, #tpu.memory_space<vmem>>
    %dma_wait3A_47 = tpu.memref_squeeze %dma_wait3A_46 : memref<1x800xi32, #tpu.memory_space<vmem>> -> memref<800xi32, #tpu.memory_space<vmem>>
    %dma_wait3A_48 = arith.constant 0 : i32
    %dma_wait3A_49 = arith.constant 0 : i32
    %dma_wait3A_50 = tpu.memref_slice %arg9[%dma_wait3A_48, %dma_wait3A_49] : memref<100096x16xf32, #tpu.memory_space<vmem_shared>> -> memref<100096x16xf32, #tpu.memory_space<vmem_shared>>
    tpu.wait_indirect_dma semaphore(%arg13 : memref<!tpu.dma_semaphore, #tpu.memory_space<semaphore_mem>>) src(%arg8 : memref<800x16xf32, #tpu.memory_space<vmem>>) dst(%dma_wait3A_50 : memref<100096x16xf32, #tpu.memory_space<vmem_shared>>)
    %barrier3A_51 = arith.constant 0 : index
    tpu.barrier barrier_id(%barrier3A_51)
    %scan3A_52 = arith.constant 0 : i32
    %scan3A_53 = arith.constant 0 : i32
    %scan3A_54 = arith.constant 17 : i32
    %scan3A_55 = arith.addi %scan3A_53, %scan3A_54 : i32
    %scan3A_56 = arith.constant 1 : i32
    %scan3A_57 = scf.for %scan3A_131 = %scan3A_53 to %scan3A_55 step %scan3A_56 iter_args(%scan3A_132 = %scan3A_52) -> (i32)  : i32 {
      %mul3A_133 = arith.constant 368 : i32
      %mul3A_134 = arith.muli %scan3A_131, %mul3A_133 : i32
      %add3A_135 = arith.addi %mul3A_0, %mul3A_134 : i32
      "tpu.region"() ({
        %run_scoped3A = tpu.sem_alloc : memref<!tpu.dma_semaphore, #tpu.memory_space<semaphore_mem>>
        %dma_start3A_137 = arith.constant 0 : i32
        %dma_start3A_138 = tpu.memref_slice %arg4[%arg0, %add3A_135, %dma_start3A_137] : memref<4x100096x16xf32, #tpu.memory_space<hbm>> -> memref<1x368x16xf32, #tpu.memory_space<hbm>>
        %dma_start3A_139 = tpu.memref_squeeze %dma_start3A_138 : memref<1x368x16xf32, #tpu.memory_space<hbm>> -> memref<368x16xf32, #tpu.memory_space<hbm>>
        %dma_start3A_140 = arith.constant 0 : i32
        %dma_start3A_141 = tpu.memref_slice %arg9[%add3A_135, %dma_start3A_140] : memref<100096x16xf32, #tpu.memory_space<vmem_shared>> -> memref<368x16xf32, #tpu.memory_space<vmem_shared>>
        tpu.enqueue_dma source(%dma_start3A_141 : memref<368x16xf32, #tpu.memory_space<vmem_shared>>) target(%dma_start3A_139 : memref<368x16xf32, #tpu.memory_space<hbm>>) target_semaphore(%run_scoped3A : memref<!tpu.dma_semaphore, #tpu.memory_space<semaphore_mem>>)
        %dma_wait3A_142 = arith.constant 0 : i32
        %dma_wait3A_143 = tpu.memref_slice %arg4[%arg0, %add3A_135, %dma_wait3A_142] : memref<4x100096x16xf32, #tpu.memory_space<hbm>> -> memref<1x368x16xf32, #tpu.memory_space<hbm>>
        %dma_wait3A_144 = tpu.memref_squeeze %dma_wait3A_143 : memref<1x368x16xf32, #tpu.memory_space<hbm>> -> memref<368x16xf32, #tpu.memory_space<hbm>>
        %dma_wait3A_145 = arith.constant 0 : i32
        %dma_wait3A_146 = tpu.memref_slice %arg9[%add3A_135, %dma_wait3A_145] : memref<100096x16xf32, #tpu.memory_space<vmem_shared>> -> memref<368x16xf32, #tpu.memory_space<vmem_shared>>
        tpu.wait_dma2 semaphore(%run_scoped3A : memref<!tpu.dma_semaphore, #tpu.memory_space<semaphore_mem>>) src(%dma_wait3A_146 : memref<368x16xf32, #tpu.memory_space<vmem_shared>>) dst(%dma_wait3A_144 : memref<368x16xf32, #tpu.memory_space<hbm>>)
        tpu.yield
      }) : () -> ()
      %scan3A_136 = arith.constant 0 : i32
      scf.yield %scan3A_136 : i32
    }
    %scan3A_58 = arith.constant 17 : i32
    %scan3A_59 = arith.constant 0 : i32
    %scan3A_60 = arith.constant 0 : i32
    %scan3A_61 = arith.constant 368 : i32
    %scan3A_62 = arith.addi %scan3A_60, %scan3A_61 : i32
    %scan3A_63 = arith.constant 1 : i32
    %scan3A_64 = scf.for %scan3A_131 = %scan3A_60 to %scan3A_62 step %scan3A_63 iter_args(%scan3A_132 = %scan3A_59) -> (i32)  : i32 {
      %broadcast_in_dim3A = arith.constant 0.000000e+00 : f32
      %broadcast_in_dim3A_133 = vector.broadcast %broadcast_in_dim3A : f32 to vector<16xf32>
      %swap3A = arith.index_cast %scan3A_131 : i32 to index
      %swap3A_134 = arith.constant 0 : index
      %swap3A_135 = tpu.vector_load %arg7[%swap3A, %swap3A_134] {strides = array<i32>} : memref<800x16xf32, #tpu.memory_space<vmem>>, vector<1x16xf32>,
      %swap3A_136 = vector.shape_cast %swap3A_135 : vector<1x16xf32> to vector<16xf32>
      %swap3A_137 = vector.shape_cast %broadcast_in_dim3A_133 : vector<16xf32> to vector<1x16xf32>
      tpu.vector_store %arg7[%swap3A, %swap3A_134], %swap3A_137 {strides = array<i32>} : memref<800x16xf32, #tpu.memory_space<vmem>>, vector<1x16xf32>,
      %scan3A_138 = arith.constant 0 : i32
      scf.yield %scan3A_138 : i32
    }
    %scan3A_65 = arith.constant 368 : i32
    %scan3A_66 = arith.constant 0 : i32
    %scan3A_67 = arith.constant 0 : i32
    %scan3A_68 = arith.constant 17 : i32
    %scan3A_69 = arith.addi %scan3A_67, %scan3A_68 : i32
    %scan3A_70 = arith.constant 1 : i32
    %scan3A_71 = scf.for %scan3A_131 = %scan3A_67 to %scan3A_69 step %scan3A_70 iter_args(%scan3A_132 = %scan3A_66) -> (i32)  : i32 {
      %mul3A_133 = arith.constant 368 : i32
      %mul3A_134 = arith.muli %scan3A_131, %mul3A_133 : i32
      %add3A_135 = arith.addi %mul3A_0, %mul3A_134 : i32
      "tpu.region"() ({
        %run_scoped3A = tpu.sem_alloc : memref<!tpu.dma_semaphore, #tpu.memory_space<semaphore_mem>>
        %dma_start3A_137 = arith.constant 0 : i32
        %dma_start3A_138 = arith.constant 0 : i32
        %dma_start3A_139 = tpu.memref_slice %arg7[%dma_start3A_137, %dma_start3A_138] : memref<800x16xf32, #tpu.memory_space<vmem>> -> memref<368x16xf32, #tpu.memory_space<vmem>>
        %dma_start3A_140 = arith.constant 0 : i32
        %dma_start3A_141 = tpu.memref_slice %arg9[%add3A_135, %dma_start3A_140] : memref<100096x16xf32, #tpu.memory_space<vmem_shared>> -> memref<368x16xf32, #tpu.memory_space<vmem_shared>>
        %dma_start3A_142 = arith.constant 0 : i32
        %dma_start3A_143 = tpu.memref_slice %arg9[%add3A_135, %dma_start3A_142] : memref<100096x16xf32, #tpu.memory_space<vmem_shared>> -> memref<368x16xf32, #tpu.memory_space<vmem_shared>>
        %dma_start3A_144 = arith.constant 0 : i32
        %dma_start3A_145 = arith.constant 0 : i32
        %dma_start3A_146 = tpu.memref_slice %arg7[%dma_start3A_144, %dma_start3A_145] : memref<800x16xf32, #tpu.memory_space<vmem>> -> memref<368x16xf32, #tpu.memory_space<vmem>>
        tpu.enqueue_dma source(%dma_start3A_146 : memref<368x16xf32, #tpu.memory_space<vmem>>) target(%dma_start3A_143 : memref<368x16xf32, #tpu.memory_space<vmem_shared>>) target_semaphore(%run_scoped3A : memref<!tpu.dma_semaphore, #tpu.memory_space<semaphore_mem>>)
        %dma_wait3A_147 = arith.constant 0 : i32
        %dma_wait3A_148 = arith.constant 0 : i32
        %dma_wait3A_149 = tpu.memref_slice %arg7[%dma_wait3A_147, %dma_wait3A_148] : memref<800x16xf32, #tpu.memory_space<vmem>> -> memref<368x16xf32, #tpu.memory_space<vmem>>
        %dma_wait3A_150 = arith.constant 0 : i32
        %dma_wait3A_151 = tpu.memref_slice %arg9[%add3A_135, %dma_wait3A_150] : memref<100096x16xf32, #tpu.memory_space<vmem_shared>> -> memref<368x16xf32, #tpu.memory_space<vmem_shared>>
        %dma_wait3A_152 = arith.constant 0 : i32
        %dma_wait3A_153 = tpu.memref_slice %arg9[%add3A_135, %dma_wait3A_152] : memref<100096x16xf32, #tpu.memory_space<vmem_shared>> -> memref<368x16xf32, #tpu.memory_space<vmem_shared>>
        %dma_wait3A_154 = arith.constant 0 : i32
        %dma_wait3A_155 = arith.constant 0 : i32
        %dma_wait3A_156 = tpu.memref_slice %arg7[%dma_wait3A_154, %dma_wait3A_155] : memref<800x16xf32, #tpu.memory_space<vmem>> -> memref<368x16xf32, #tpu.memory_space<vmem>>
        tpu.wait_dma2 semaphore(%run_scoped3A : memref<!tpu.dma_semaphore, #tpu.memory_space<semaphore_mem>>) src(%dma_wait3A_156 : memref<368x16xf32, #tpu.memory_space<vmem>>) dst(%dma_wait3A_153 : memref<368x16xf32, #tpu.memory_space<vmem_shared>>)
        tpu.yield
      }) : () -> ()
      %scan3A_136 = arith.constant 0 : i32
      scf.yield %scan3A_136 : i32
    }
    %scan3A_72 = arith.constant 17 : i32
    %barrier3A_73 = arith.constant 0 : index
    tpu.barrier barrier_id(%barrier3A_73)
    %mul3A_74 = arith.constant 806400 : i32
    %mul3A_75 = arith.muli %arg0, %mul3A_74 : i32
    %sub3A = arith.constant 63 : i32
    %sub3A_76 = arith.subi %sub3A, %arg0 : i32
    %mul3A_77 = arith.muli %arg1, %sub3A_76 : i32
    %add3A_78 = arith.constant 0 : i32
    %add3A_79 = arith.addi %mul3A_77, %add3A_78 : i32
    %mul3A_80 = arith.constant 800 : i32
    %mul3A_81 = arith.muli %add3A_79, %mul3A_80 : i32
    %add3A_82 = arith.addi %mul3A_75, %mul3A_81 : i32
    "tpu.region"() ({
      %run_scoped3A = tpu.sem_alloc : memref<!tpu.dma_semaphore, #tpu.memory_space<semaphore_mem>>
      %dma_start3A_131 = arith.constant 0 : i32
      %dma_start3A_132 = tpu.memref_slice %arg3[%dma_start3A_131, %add3A_82] : memref<2x1600000xi32, #tpu.memory_space<hbm>> -> memref<2x800xi32, #tpu.memory_space<hbm>>
      %dma_start3A_133 = arith.constant 0 : i32
      %dma_start3A_134 = tpu.memref_slice %arg3[%dma_start3A_133, %add3A_82] : memref<2x1600000xi32, #tpu.memory_space<hbm>> -> memref<2x800xi32, #tpu.memory_space<hbm>>
      tpu.enqueue_dma source(%dma_start3A_134 : memref<2x800xi32, #tpu.memory_space<hbm>>) target(%arg5 : memref<2x800xi32, #tpu.memory_space<vmem>>) target_semaphore(%run_scoped3A : memref<!tpu.dma_semaphore, #tpu.memory_space<semaphore_mem>>)
      %dma_wait3A_135 = arith.constant 0 : i32
      %dma_wait3A_136 = tpu.memref_slice %arg3[%dma_wait3A_135, %add3A_82] : memref<2x1600000xi32, #tpu.memory_space<hbm>> -> memref<2x800xi32, #tpu.memory_space<hbm>>
      %dma_wait3A_137 = arith.constant 0 : i32
      %dma_wait3A_138 = tpu.memref_slice %arg3[%dma_wait3A_137, %add3A_82] : memref<2x1600000xi32, #tpu.memory_space<hbm>> -> memref<2x800xi32, #tpu.memory_space<hbm>>
      tpu.wait_dma2 semaphore(%run_scoped3A : memref<!tpu.dma_semaphore, #tpu.memory_space<semaphore_mem>>) src(%dma_wait3A_138 : memref<2x800xi32, #tpu.memory_space<hbm>>) dst(%arg5 : memref<2x800xi32, #tpu.memory_space<vmem>>)
      tpu.yield
    }) : () -> ()
    %dma_start3A_83 = arith.constant 2 : i32
    %dma_start3A_84 = arith.constant 0 : i32
    %dma_start3A_85 = arith.constant 0 : i32
    %dma_start3A_86 = tpu.memref_slice %arg5[%dma_start3A_84, %dma_start3A_85] : memref<2x800xi32, #tpu.memory_space<vmem>> -> memref<1x800xi32, #tpu.memory_space<vmem>>
    %dma_start3A_87 = tpu.memref_squeeze %dma_start3A_86 : memref<1x800xi32, #tpu.memory_space<vmem>> -> memref<800xi32, #tpu.memory_space<vmem>>
    %dma_start3A_88 = arith.constant 0 : i32
    %dma_start3A_89 = arith.constant 0 : i32
    %dma_start3A_90 = tpu.memref_slice %arg2[%dma_start3A_83, %dma_start3A_88, %dma_start3A_89] : memref<3x100000x16xf32, #tpu.memory_space<hbm>> -> memref<1x100000x16xf32, #tpu.memory_space<hbm>>
    %dma_start3A_91 = tpu.memref_squeeze %dma_start3A_90 : memref<1x100000x16xf32, #tpu.memory_space<hbm>> -> memref<100000x16xf32, #tpu.memory_space<hbm>>
    %dma_start3A_92 = arith.constant 0 : i32
    %dma_start3A_93 = arith.constant 0 : i32
    %dma_start3A_94 = tpu.memref_slice %dma_start3A_91[%dma_start3A_92, %dma_start3A_93] : memref<100000x16xf32, #tpu.memory_space<hbm>> -> memref<100000x16xf32, #tpu.memory_space<hbm>>
    tpu.enqueue_indirect_dma source(%dma_start3A_94 : memref<100000x16xf32, #tpu.memory_space<hbm>>) target(%arg7 : memref<800x16xf32, #tpu.memory_space<vmem>>) offsets(%dma_start3A_87 : memref<800xi32, #tpu.memory_space<vmem>>) semaphore(%arg10 : memref<!tpu.dma_semaphore, #tpu.memory_space<semaphore_mem>>)
    %while3A = arith.constant 2 : i32
    %while3A_95 = arith.constant 0 : i32
    %while3A_96 = arith.constant 0 : i32
    %while3A_97 = arith.subi %sub3A_76, %while3A_95 : i32
    %while3A_98 = arith.addi %while3A_95, %while3A_97 : i32
    %while3A_99 = arith.constant 1 : i32
    %while3A_100 = arith.divsi %while3A_97, %while3A_99 : i32
    %while3A_101 = arith.muli %while3A_100, %while3A_99 : i32
    %while3A_102 = arith.addi %while3A_95, %while3A_101 : i32
    %while3A_103 = arith.constant 1 : i32
    %while3A_104 = scf.for %while3A_131 = %while3A_95 to %while3A_102 step %while3A_103 iter_args(%while3A_132 = %while3A_96) -> (i32)  : i32 {
      %add3A_133 = arith.constant 1 : i32
      %add3A_134 = arith.addi %while3A_131, %add3A_133 : i32
      %rem3A = arith.constant 2 : i32
      %rem3A_135 = arith.remsi %while3A_131, %rem3A : i32
      %eq3A = arith.constant 0 : i32
      %eq3A_136 = arith.cmpi eq, %rem3A_135, %eq3A : i32
      %lt3A = arith.cmpi slt, %add3A_134, %sub3A_76 : i32
      %gt3A = arith.constant 0 : i32
      %gt3A_137 = arith.cmpi sgt, %while3A_131, %gt3A : i32
      %and3A = arith.andi %eq3A_136, %gt3A_137 : i1
      %and3A_138 = arith.andi %lt3A, %and3A : i1
      %convert_element_type3A = arith.extui %and3A_138 : i1 to i32
      %cond3A = arith.constant 0 : i32
      %cond3A_139 = arith.cmpi ne, %convert_element_type3A, %cond3A : i32
      scf.if %cond3A_139 {
        %dma_wait3A_164 = arith.constant 1 : i32
        %dma_wait3A_165 = arith.constant 0 : i32
        %dma_wait3A_166 = tpu.memref_slice %arg6[%dma_wait3A_164, %dma_wait3A_165] : memref<2x800xi32, #tpu.memory_space<vmem>> -> memref<1x800xi32, #tpu.memory_space<vmem>>
        %dma_wait3A_167 = tpu.memref_squeeze %dma_wait3A_166 : memref<1x800xi32, #tpu.memory_space<vmem>> -> memref<800xi32, #tpu.memory_space<vmem>>
        %dma_wait3A_168 = arith.constant 0 : i32
        %dma_wait3A_169 = arith.constant 0 : i32
        %dma_wait3A_170 = tpu.memref_slice %arg9[%dma_wait3A_168, %dma_wait3A_169] : memref<100096x16xf32, #tpu.memory_space<vmem_shared>> -> memref<100096x16xf32, #tpu.memory_space<vmem_shared>>
        tpu.wait_indirect_dma semaphore(%arg13 : memref<!tpu.dma_semaphore, #tpu.memory_space<semaphore_mem>>) src(%arg8 : memref<800x16xf32, #tpu.memory_space<vmem>>) dst(%dma_wait3A_170 : memref<100096x16xf32, #tpu.memory_space<vmem_shared>>)
      } else {
      }
      %not3A = arith.constant true
      %not3A_140 = arith.xori %eq3A_136, %not3A : i1
      %and3A_141 = arith.andi %lt3A, %not3A_140 : i1
      %convert_element_type3A_142 = arith.extui %and3A_141 : i1 to i32
      %cond3A_143 = arith.constant 0 : i32
      %cond3A_144 = arith.cmpi ne, %convert_element_type3A_142, %cond3A_143 : i32
      scf.if %cond3A_144 {
        %dma_wait3A_164 = arith.constant 1 : i32
        %dma_wait3A_165 = arith.constant 0 : i32
        %dma_wait3A_166 = tpu.memref_slice %arg5[%dma_wait3A_164, %dma_wait3A_165] : memref<2x800xi32, #tpu.memory_space<vmem>> -> memref<1x800xi32, #tpu.memory_space<vmem>>
        %dma_wait3A_167 = tpu.memref_squeeze %dma_wait3A_166 : memref<1x800xi32, #tpu.memory_space<vmem>> -> memref<800xi32, #tpu.memory_space<vmem>>
        %dma_wait3A_168 = arith.constant 0 : i32
        %dma_wait3A_169 = arith.constant 0 : i32
        %dma_wait3A_170 = tpu.memref_slice %arg9[%dma_wait3A_168, %dma_wait3A_169] : memref<100096x16xf32, #tpu.memory_space<vmem_shared>> -> memref<100096x16xf32, #tpu.memory_space<vmem_shared>>
        tpu.wait_indirect_dma semaphore(%arg12 : memref<!tpu.dma_semaphore, #tpu.memory_space<semaphore_mem>>) src(%arg7 : memref<800x16xf32, #tpu.memory_space<vmem>>) dst(%dma_wait3A_170 : memref<100096x16xf32, #tpu.memory_space<vmem_shared>>)
      } else {
      }
      %and3A_145 = arith.andi %lt3A, %eq3A_136 : i1
      %convert_element_type3A_146 = arith.extui %and3A_145 : i1 to i32
      %cond3A_147 = arith.constant 0 : i32
      %cond3A_148 = arith.cmpi ne, %convert_element_type3A_146, %cond3A_147 : i32
      scf.if %cond3A_148 {
        %mul3A_164 = arith.muli %arg1, %sub3A_76 : i32
        %add3A_165 = arith.addi %mul3A_164, %add3A_134 : i32
        %mul3A_166 = arith.constant 800 : i32
        %mul3A_167 = arith.muli %add3A_165, %mul3A_166 : i32
        %add3A_168 = arith.addi %mul3A_75, %mul3A_167 : i32
        "tpu.region"() ({
          %run_scoped3A = tpu.sem_alloc : memref<!tpu.dma_semaphore, #tpu.memory_space<semaphore_mem>>
          %dma_start3A_180 = arith.constant 0 : i32
          %dma_start3A_181 = tpu.memref_slice %arg3[%dma_start3A_180, %add3A_168] : memref<2x1600000xi32, #tpu.memory_space<hbm>> -> memref<2x800xi32, #tpu.memory_space<hbm>>
          %dma_start3A_182 = arith.constant 0 : i32
          %dma_start3A_183 = tpu.memref_slice %arg3[%dma_start3A_182, %add3A_168] : memref<2x1600000xi32, #tpu.memory_space<hbm>> -> memref<2x800xi32, #tpu.memory_space<hbm>>
          tpu.enqueue_dma source(%dma_start3A_183 : memref<2x800xi32, #tpu.memory_space<hbm>>) target(%arg6 : memref<2x800xi32, #tpu.memory_space<vmem>>) target_semaphore(%run_scoped3A : memref<!tpu.dma_semaphore, #tpu.memory_space<semaphore_mem>>)
          %dma_wait3A_184 = arith.constant 0 : i32
          %dma_wait3A_185 = tpu.memref_slice %arg3[%dma_wait3A_184, %add3A_168] : memref<2x1600000xi32, #tpu.memory_space<hbm>> -> memref<2x800xi32, #tpu.memory_space<hbm>>
          %dma_wait3A_186 = arith.constant 0 : i32
          %dma_wait3A_187 = tpu.memref_slice %arg3[%dma_wait3A_186, %add3A_168] : memref<2x1600000xi32, #tpu.memory_space<hbm>> -> memref<2x800xi32, #tpu.memory_space<hbm>>
          tpu.wait_dma2 semaphore(%run_scoped3A : memref<!tpu.dma_semaphore, #tpu.memory_space<semaphore_mem>>) src(%dma_wait3A_187 : memref<2x800xi32, #tpu.memory_space<hbm>>) dst(%arg6 : memref<2x800xi32, #tpu.memory_space<vmem>>)
          tpu.yield
        }) : () -> ()
        %dma_start3A_169 = arith.constant 0 : i32
        %dma_start3A_170 = arith.constant 0 : i32
        %dma_start3A_171 = tpu.memref_slice %arg6[%dma_start3A_169, %dma_start3A_170] : memref<2x800xi32, #tpu.memory_space<vmem>> -> memref<1x800xi32, #tpu.memory_space<vmem>>
        %dma_start3A_172 = tpu.memref_squeeze %dma_start3A_171 : memref<1x800xi32, #tpu.memory_space<vmem>> -> memref<800xi32, #tpu.memory_space<vmem>>
        %dma_start3A_173 = arith.constant 0 : i32
        %dma_start3A_174 = arith.constant 0 : i32
        %dma_start3A_175 = tpu.memref_slice %arg2[%while3A, %dma_start3A_173, %dma_start3A_174] : memref<3x100000x16xf32, #tpu.memory_space<hbm>> -> memref<1x100000x16xf32, #tpu.memory_space<hbm>>
        %dma_start3A_176 = tpu.memref_squeeze %dma_start3A_175 : memref<1x100000x16xf32, #tpu.memory_space<hbm>> -> memref<100000x16xf32, #tpu.memory_space<hbm>>
        %dma_start3A_177 = arith.constant 0 : i32
        %dma_start3A_178 = arith.constant 0 : i32
        %dma_start3A_179 = tpu.memref_slice %dma_start3A_176[%dma_start3A_177, %dma_start3A_178] : memref<100000x16xf32, #tpu.memory_space<hbm>> -> memref<100000x16xf32, #tpu.memory_space<hbm>>
        tpu.enqueue_indirect_dma source(%dma_start3A_179 : memref<100000x16xf32, #tpu.memory_space<hbm>>) target(%arg8 : memref<800x16xf32, #tpu.memory_space<vmem>>) offsets(%dma_start3A_172 : memref<800xi32, #tpu.memory_space<vmem>>) semaphore(%arg11 : memref<!tpu.dma_semaphore, #tpu.memory_space<semaphore_mem>>)
      } else {
      }
      %not3A_149 = arith.constant true
      %not3A_150 = arith.xori %eq3A_136, %not3A_149 : i1
      %and3A_151 = arith.andi %lt3A, %not3A_150 : i1
      %convert_element_type3A_152 = arith.extui %and3A_151 : i1 to i32
      %cond3A_153 = arith.constant 0 : i32
      %cond3A_154 = arith.cmpi ne, %convert_element_type3A_152, %cond3A_153 : i32
      scf.if %cond3A_154 {
        %mul3A_164 = arith.muli %arg1, %sub3A_76 : i32
        %add3A_165 = arith.addi %mul3A_164, %add3A_134 : i32
        %mul3A_166 = arith.constant 800 : i32
        %mul3A_167 = arith.muli %add3A_165, %mul3A_166 : i32
        %add3A_168 = arith.addi %mul3A_75, %mul3A_167 : i32
        "tpu.region"() ({
          %run_scoped3A = tpu.sem_alloc : memref<!tpu.dma_semaphore, #tpu.memory_space<semaphore_mem>>
          %dma_start3A_180 = arith.constant 0 : i32
          %dma_start3A_181 = tpu.memref_slice %arg3[%dma_start3A_180, %add3A_168] : memref<2x1600000xi32, #tpu.memory_space<hbm>> -> memref<2x800xi32, #tpu.memory_space<hbm>>
          %dma_start3A_182 = arith.constant 0 : i32
          %dma_start3A_183 = tpu.memref_slice %arg3[%dma_start3A_182, %add3A_168] : memref<2x1600000xi32, #tpu.memory_space<hbm>> -> memref<2x800xi32, #tpu.memory_space<hbm>>
          tpu.enqueue_dma source(%dma_start3A_183 : memref<2x800xi32, #tpu.memory_space<hbm>>) target(%arg5 : memref<2x800xi32, #tpu.memory_space<vmem>>) target_semaphore(%run_scoped3A : memref<!tpu.dma_semaphore, #tpu.memory_space<semaphore_mem>>)
          %dma_wait3A_184 = arith.constant 0 : i32
          %dma_wait3A_185 = tpu.memref_slice %arg3[%dma_wait3A_184, %add3A_168] : memref<2x1600000xi32, #tpu.memory_space<hbm>> -> memref<2x800xi32, #tpu.memory_space<hbm>>
          %dma_wait3A_186 = arith.constant 0 : i32
          %dma_wait3A_187 = tpu.memref_slice %arg3[%dma_wait3A_186, %add3A_168] : memref<2x1600000xi32, #tpu.memory_space<hbm>> -> memref<2x800xi32, #tpu.memory_space<hbm>>
          tpu.wait_dma2 semaphore(%run_scoped3A : memref<!tpu.dma_semaphore, #tpu.memory_space<semaphore_mem>>) src(%dma_wait3A_187 : memref<2x800xi32, #tpu.memory_space<hbm>>) dst(%arg5 : memref<2x800xi32, #tpu.memory_space<vmem>>)
          tpu.yield
        }) : () -> ()
        %dma_start3A_169 = arith.constant 0 : i32
        %dma_start3A_170 = arith.constant 0 : i32
        %dma_start3A_171 = tpu.memref_slice %arg5[%dma_start3A_169, %dma_start3A_170] : memref<2x800xi32, #tpu.memory_space<vmem>> -> memref<1x800xi32, #tpu.memory_space<vmem>>
        %dma_start3A_172 = tpu.memref_squeeze %dma_start3A_171 : memref<1x800xi32, #tpu.memory_space<vmem>> -> memref<800xi32, #tpu.memory_space<vmem>>
        %dma_start3A_173 = arith.constant 0 : i32
        %dma_start3A_174 = arith.constant 0 : i32
        %dma_start3A_175 = tpu.memref_slice %arg2[%while3A, %dma_start3A_173, %dma_start3A_174] : memref<3x100000x16xf32, #tpu.memory_space<hbm>> -> memref<1x100000x16xf32, #tpu.memory_space<hbm>>
        %dma_start3A_176 = tpu.memref_squeeze %dma_start3A_175 : memref<1x100000x16xf32, #tpu.memory_space<hbm>> -> memref<100000x16xf32, #tpu.memory_space<hbm>>
        %dma_start3A_177 = arith.constant 0 : i32
        %dma_start3A_178 = arith.constant 0 : i32
        %dma_start3A_179 = tpu.memref_slice %dma_start3A_176[%dma_start3A_177, %dma_start3A_178] : memref<100000x16xf32, #tpu.memory_space<hbm>> -> memref<100000x16xf32, #tpu.memory_space<hbm>>
        tpu.enqueue_indirect_dma source(%dma_start3A_179 : memref<100000x16xf32, #tpu.memory_space<hbm>>) target(%arg7 : memref<800x16xf32, #tpu.memory_space<vmem>>) offsets(%dma_start3A_172 : memref<800xi32, #tpu.memory_space<vmem>>) semaphore(%arg10 : memref<!tpu.dma_semaphore, #tpu.memory_space<semaphore_mem>>)
      } else {
      }
      %convert_element_type3A_155 = arith.extui %eq3A_136 : i1 to i32
      %cond3A_156 = arith.constant 0 : i32
      %cond3A_157 = arith.cmpi ne, %convert_element_type3A_155, %cond3A_156 : i32
      scf.if %cond3A_157 {
        %dma_wait3A_164 = arith.constant 0 : i32
        %dma_wait3A_165 = arith.constant 0 : i32
        %dma_wait3A_166 = tpu.memref_slice %arg5[%dma_wait3A_164, %dma_wait3A_165] : memref<2x800xi32, #tpu.memory_space<vmem>> -> memref<1x800xi32, #tpu.memory_space<vmem>>
        %dma_wait3A_167 = tpu.memref_squeeze %dma_wait3A_166 : memref<1x800xi32, #tpu.memory_space<vmem>> -> memref<800xi32, #tpu.memory_space<vmem>>
        %dma_wait3A_168 = arith.constant 0 : i32
        %dma_wait3A_169 = arith.constant 0 : i32
        %dma_wait3A_170 = tpu.memref_slice %arg2[%while3A, %dma_wait3A_168, %dma_wait3A_169] : memref<3x100000x16xf32, #tpu.memory_space<hbm>> -> memref<1x100000x16xf32, #tpu.memory_space<hbm>>
        %dma_wait3A_171 = tpu.memref_squeeze %dma_wait3A_170 : memref<1x100000x16xf32, #tpu.memory_space<hbm>> -> memref<100000x16xf32, #tpu.memory_space<hbm>>
        %dma_wait3A_172 = arith.constant 0 : i32
        %dma_wait3A_173 = arith.constant 0 : i32
        %dma_wait3A_174 = tpu.memref_slice %dma_wait3A_171[%dma_wait3A_172, %dma_wait3A_173] : memref<100000x16xf32, #tpu.memory_space<hbm>> -> memref<100000x16xf32, #tpu.memory_space<hbm>>
        tpu.wait_indirect_dma semaphore(%arg10 : memref<!tpu.dma_semaphore, #tpu.memory_space<semaphore_mem>>) src(%dma_wait3A_174 : memref<100000x16xf32, #tpu.memory_space<hbm>>) dst(%arg7 : memref<800x16xf32, #tpu.memory_space<vmem>>)
        %dma_start3A_175 = arith.constant 1 : i32
        %dma_start3A_176 = arith.constant 0 : i32
        %dma_start3A_177 = tpu.memref_slice %arg5[%dma_start3A_175, %dma_start3A_176] : memref<2x800xi32, #tpu.memory_space<vmem>> -> memref<1x800xi32, #tpu.memory_space<vmem>>
        %dma_start3A_178 = tpu.memref_squeeze %dma_start3A_177 : memref<1x800xi32, #tpu.memory_space<vmem>> -> memref<800xi32, #tpu.memory_space<vmem>>
        %dma_start3A_179 = arith.constant 0 : i32
        %dma_start3A_180 = arith.constant 0 : i32
        %dma_start3A_181 = tpu.memref_slice %arg9[%dma_start3A_179, %dma_start3A_180] : memref<100096x16xf32, #tpu.memory_space<vmem_shared>> -> memref<100096x16xf32, #tpu.memory_space<vmem_shared>>
        tpu.enqueue_indirect_dma source(%arg7 : memref<800x16xf32, #tpu.memory_space<vmem>>) target(%dma_start3A_181 : memref<100096x16xf32, #tpu.memory_space<vmem_shared>>) offsets(%dma_start3A_178 : memref<800xi32, #tpu.memory_space<vmem>>) semaphore(%arg12 : memref<!tpu.dma_semaphore, #tpu.memory_space<semaphore_mem>>) {add = true}
      } else {
      }
      %not3A_158 = arith.constant true
      %not3A_159 = arith.xori %eq3A_136, %not3A_158 : i1
      %convert_element_type3A_160 = arith.extui %not3A_159 : i1 to i32
      %cond3A_161 = arith.constant 0 : i32
      %cond3A_162 = arith.cmpi ne, %convert_element_type3A_160, %cond3A_161 : i32
      scf.if %cond3A_162 {
        %dma_wait3A_164 = arith.constant 0 : i32
        %dma_wait3A_165 = arith.constant 0 : i32
        %dma_wait3A_166 = tpu.memref_slice %arg6[%dma_wait3A_164, %dma_wait3A_165] : memref<2x800xi32, #tpu.memory_space<vmem>> -> memref<1x800xi32, #tpu.memory_space<vmem>>
        %dma_wait3A_167 = tpu.memref_squeeze %dma_wait3A_166 : memref<1x800xi32, #tpu.memory_space<vmem>> -> memref<800xi32, #tpu.memory_space<vmem>>
        %dma_wait3A_168 = arith.constant 0 : i32
        %dma_wait3A_169 = arith.constant 0 : i32
        %dma_wait3A_170 = tpu.memref_slice %arg2[%while3A, %dma_wait3A_168, %dma_wait3A_169] : memref<3x100000x16xf32, #tpu.memory_space<hbm>> -> memref<1x100000x16xf32, #tpu.memory_space<hbm>>
        %dma_wait3A_171 = tpu.memref_squeeze %dma_wait3A_170 : memref<1x100000x16xf32, #tpu.memory_space<hbm>> -> memref<100000x16xf32, #tpu.memory_space<hbm>>
        %dma_wait3A_172 = arith.constant 0 : i32
        %dma_wait3A_173 = arith.constant 0 : i32
        %dma_wait3A_174 = tpu.memref_slice %dma_wait3A_171[%dma_wait3A_172, %dma_wait3A_173] : memref<100000x16xf32, #tpu.memory_space<hbm>> -> memref<100000x16xf32, #tpu.memory_space<hbm>>
        tpu.wait_indirect_dma semaphore(%arg11 : memref<!tpu.dma_semaphore, #tpu.memory_space<semaphore_mem>>) src(%dma_wait3A_174 : memref<100000x16xf32, #tpu.memory_space<hbm>>) dst(%arg8 : memref<800x16xf32, #tpu.memory_space<vmem>>)
        %dma_start3A_175 = arith.constant 1 : i32
        %dma_start3A_176 = arith.constant 0 : i32
        %dma_start3A_177 = tpu.memref_slice %arg6[%dma_start3A_175, %dma_start3A_176] : memref<2x800xi32, #tpu.memory_space<vmem>> -> memref<1x800xi32, #tpu.memory_space<vmem>>
        %dma_start3A_178 = tpu.memref_squeeze %dma_start3A_177 : memref<1x800xi32, #tpu.memory_space<vmem>> -> memref<800xi32, #tpu.memory_space<vmem>>
        %dma_start3A_179 = arith.constant 0 : i32
        %dma_start3A_180 = arith.constant 0 : i32
        %dma_start3A_181 = tpu.memref_slice %arg9[%dma_start3A_179, %dma_start3A_180] : memref<100096x16xf32, #tpu.memory_space<vmem_shared>> -> memref<100096x16xf32, #tpu.memory_space<vmem_shared>>
        tpu.enqueue_indirect_dma source(%arg8 : memref<800x16xf32, #tpu.memory_space<vmem>>) target(%dma_start3A_181 : memref<100096x16xf32, #tpu.memory_space<vmem_shared>>) offsets(%dma_start3A_178 : memref<800xi32, #tpu.memory_space<vmem>>) semaphore(%arg13 : memref<!tpu.dma_semaphore, #tpu.memory_space<semaphore_mem>>) {add = true}
      } else {
      }
      %while3A_163 = arith.constant 0 : i32
      scf.yield %while3A_163 : i32
    }
    %while3A_105 = arith.constant 1 : i32
    %while3A_106 = scf.for %while3A_131 = %while3A_102 to %while3A_98 step %while3A_105 iter_args(%while3A_132 = %while3A_104) -> (i32)  : i32 {
      %add3A_133 = arith.constant 1 : i32
      %add3A_134 = arith.addi %while3A_131, %add3A_133 : i32
      %rem3A = arith.constant 2 : i32
      %rem3A_135 = arith.remsi %while3A_131, %rem3A : i32
      %eq3A = arith.constant 0 : i32
      %eq3A_136 = arith.cmpi eq, %rem3A_135, %eq3A : i32
      %lt3A = arith.cmpi slt, %add3A_134, %sub3A_76 : i32
      %gt3A = arith.constant 0 : i32
      %gt3A_137 = arith.cmpi sgt, %while3A_131, %gt3A : i32
      %and3A = arith.andi %eq3A_136, %gt3A_137 : i1
      %and3A_138 = arith.andi %lt3A, %and3A : i1
      %convert_element_type3A = arith.extui %and3A_138 : i1 to i32
      %cond3A = arith.constant 0 : i32
      %cond3A_139 = arith.cmpi ne, %convert_element_type3A, %cond3A : i32
      scf.if %cond3A_139 {
        %dma_wait3A_164 = arith.constant 1 : i32
        %dma_wait3A_165 = arith.constant 0 : i32
        %dma_wait3A_166 = tpu.memref_slice %arg6[%dma_wait3A_164, %dma_wait3A_165] : memref<2x800xi32, #tpu.memory_space<vmem>> -> memref<1x800xi32, #tpu.memory_space<vmem>>
        %dma_wait3A_167 = tpu.memref_squeeze %dma_wait3A_166 : memref<1x800xi32, #tpu.memory_space<vmem>> -> memref<800xi32, #tpu.memory_space<vmem>>
        %dma_wait3A_168 = arith.constant 0 : i32
        %dma_wait3A_169 = arith.constant 0 : i32
        %dma_wait3A_170 = tpu.memref_slice %arg9[%dma_wait3A_168, %dma_wait3A_169] : memref<100096x16xf32, #tpu.memory_space<vmem_shared>> -> memref<100096x16xf32, #tpu.memory_space<vmem_shared>>
        tpu.wait_indirect_dma semaphore(%arg13 : memref<!tpu.dma_semaphore, #tpu.memory_space<semaphore_mem>>) src(%arg8 : memref<800x16xf32, #tpu.memory_space<vmem>>) dst(%dma_wait3A_170 : memref<100096x16xf32, #tpu.memory_space<vmem_shared>>)
      } else {
      }
      %not3A = arith.constant true
      %not3A_140 = arith.xori %eq3A_136, %not3A : i1
      %and3A_141 = arith.andi %lt3A, %not3A_140 : i1
      %convert_element_type3A_142 = arith.extui %and3A_141 : i1 to i32
      %cond3A_143 = arith.constant 0 : i32
      %cond3A_144 = arith.cmpi ne, %convert_element_type3A_142, %cond3A_143 : i32
      scf.if %cond3A_144 {
        %dma_wait3A_164 = arith.constant 1 : i32
        %dma_wait3A_165 = arith.constant 0 : i32
        %dma_wait3A_166 = tpu.memref_slice %arg5[%dma_wait3A_164, %dma_wait3A_165] : memref<2x800xi32, #tpu.memory_space<vmem>> -> memref<1x800xi32, #tpu.memory_space<vmem>>
        %dma_wait3A_167 = tpu.memref_squeeze %dma_wait3A_166 : memref<1x800xi32, #tpu.memory_space<vmem>> -> memref<800xi32, #tpu.memory_space<vmem>>
        %dma_wait3A_168 = arith.constant 0 : i32
        %dma_wait3A_169 = arith.constant 0 : i32
        %dma_wait3A_170 = tpu.memref_slice %arg9[%dma_wait3A_168, %dma_wait3A_169] : memref<100096x16xf32, #tpu.memory_space<vmem_shared>> -> memref<100096x16xf32, #tpu.memory_space<vmem_shared>>
        tpu.wait_indirect_dma semaphore(%arg12 : memref<!tpu.dma_semaphore, #tpu.memory_space<semaphore_mem>>) src(%arg7 : memref<800x16xf32, #tpu.memory_space<vmem>>) dst(%dma_wait3A_170 : memref<100096x16xf32, #tpu.memory_space<vmem_shared>>)
      } else {
      }
      %and3A_145 = arith.andi %lt3A, %eq3A_136 : i1
      %convert_element_type3A_146 = arith.extui %and3A_145 : i1 to i32
      %cond3A_147 = arith.constant 0 : i32
      %cond3A_148 = arith.cmpi ne, %convert_element_type3A_146, %cond3A_147 : i32
      scf.if %cond3A_148 {
        %mul3A_164 = arith.muli %arg1, %sub3A_76 : i32
        %add3A_165 = arith.addi %mul3A_164, %add3A_134 : i32
        %mul3A_166 = arith.constant 800 : i32
        %mul3A_167 = arith.muli %add3A_165, %mul3A_166 : i32
        %add3A_168 = arith.addi %mul3A_75, %mul3A_167 : i32
        "tpu.region"() ({
          %run_scoped3A = tpu.sem_alloc : memref<!tpu.dma_semaphore, #tpu.memory_space<semaphore_mem>>
          %dma_start3A_180 = arith.constant 0 : i32
          %dma_start3A_181 = tpu.memref_slice %arg3[%dma_start3A_180, %add3A_168] : memref<2x1600000xi32, #tpu.memory_space<hbm>> -> memref<2x800xi32, #tpu.memory_space<hbm>>
          %dma_start3A_182 = arith.constant 0 : i32
          %dma_start3A_183 = tpu.memref_slice %arg3[%dma_start3A_182, %add3A_168] : memref<2x1600000xi32, #tpu.memory_space<hbm>> -> memref<2x800xi32, #tpu.memory_space<hbm>>
          tpu.enqueue_dma source(%dma_start3A_183 : memref<2x800xi32, #tpu.memory_space<hbm>>) target(%arg6 : memref<2x800xi32, #tpu.memory_space<vmem>>) target_semaphore(%run_scoped3A : memref<!tpu.dma_semaphore, #tpu.memory_space<semaphore_mem>>)
          %dma_wait3A_184 = arith.constant 0 : i32
          %dma_wait3A_185 = tpu.memref_slice %arg3[%dma_wait3A_184, %add3A_168] : memref<2x1600000xi32, #tpu.memory_space<hbm>> -> memref<2x800xi32, #tpu.memory_space<hbm>>
          %dma_wait3A_186 = arith.constant 0 : i32
          %dma_wait3A_187 = tpu.memref_slice %arg3[%dma_wait3A_186, %add3A_168] : memref<2x1600000xi32, #tpu.memory_space<hbm>> -> memref<2x800xi32, #tpu.memory_space<hbm>>
          tpu.wait_dma2 semaphore(%run_scoped3A : memref<!tpu.dma_semaphore, #tpu.memory_space<semaphore_mem>>) src(%dma_wait3A_187 : memref<2x800xi32, #tpu.memory_space<hbm>>) dst(%arg6 : memref<2x800xi32, #tpu.memory_space<vmem>>)
          tpu.yield
        }) : () -> ()
        %dma_start3A_169 = arith.constant 0 : i32
        %dma_start3A_170 = arith.constant 0 : i32
        %dma_start3A_171 = tpu.memref_slice %arg6[%dma_start3A_169, %dma_start3A_170] : memref<2x800xi32, #tpu.memory_space<vmem>> -> memref<1x800xi32, #tpu.memory_space<vmem>>
        %dma_start3A_172 = tpu.memref_squeeze %dma_start3A_171 : memref<1x800xi32, #tpu.memory_space<vmem>> -> memref<800xi32, #tpu.memory_space<vmem>>
        %dma_start3A_173 = arith.constant 0 : i32
        %dma_start3A_174 = arith.constant 0 : i32
        %dma_start3A_175 = tpu.memref_slice %arg2[%while3A, %dma_start3A_173, %dma_start3A_174] : memref<3x100000x16xf32, #tpu.memory_space<hbm>> -> memref<1x100000x16xf32, #tpu.memory_space<hbm>>
        %dma_start3A_176 = tpu.memref_squeeze %dma_start3A_175 : memref<1x100000x16xf32, #tpu.memory_space<hbm>> -> memref<100000x16xf32, #tpu.memory_space<hbm>>
        %dma_start3A_177 = arith.constant 0 : i32
        %dma_start3A_178 = arith.constant 0 : i32
        %dma_start3A_179 = tpu.memref_slice %dma_start3A_176[%dma_start3A_177, %dma_start3A_178] : memref<100000x16xf32, #tpu.memory_space<hbm>> -> memref<100000x16xf32, #tpu.memory_space<hbm>>
        tpu.enqueue_indirect_dma source(%dma_start3A_179 : memref<100000x16xf32, #tpu.memory_space<hbm>>) target(%arg8 : memref<800x16xf32, #tpu.memory_space<vmem>>) offsets(%dma_start3A_172 : memref<800xi32, #tpu.memory_space<vmem>>) semaphore(%arg11 : memref<!tpu.dma_semaphore, #tpu.memory_space<semaphore_mem>>)
      } else {
      }
      %not3A_149 = arith.constant true
      %not3A_150 = arith.xori %eq3A_136, %not3A_149 : i1
      %and3A_151 = arith.andi %lt3A, %not3A_150 : i1
      %convert_element_type3A_152 = arith.extui %and3A_151 : i1 to i32
      %cond3A_153 = arith.constant 0 : i32
      %cond3A_154 = arith.cmpi ne, %convert_element_type3A_152, %cond3A_153 : i32
      scf.if %cond3A_154 {
        %mul3A_164 = arith.muli %arg1, %sub3A_76 : i32
        %add3A_165 = arith.addi %mul3A_164, %add3A_134 : i32
        %mul3A_166 = arith.constant 800 : i32
        %mul3A_167 = arith.muli %add3A_165, %mul3A_166 : i32
        %add3A_168 = arith.addi %mul3A_75, %mul3A_167 : i32
        "tpu.region"() ({
          %run_scoped3A = tpu.sem_alloc : memref<!tpu.dma_semaphore, #tpu.memory_space<semaphore_mem>>
          %dma_start3A_180 = arith.constant 0 : i32
          %dma_start3A_181 = tpu.memref_slice %arg3[%dma_start3A_180, %add3A_168] : memref<2x1600000xi32, #tpu.memory_space<hbm>> -> memref<2x800xi32, #tpu.memory_space<hbm>>
          %dma_start3A_182 = arith.constant 0 : i32
          %dma_start3A_183 = tpu.memref_slice %arg3[%dma_start3A_182, %add3A_168] : memref<2x1600000xi32, #tpu.memory_space<hbm>> -> memref<2x800xi32, #tpu.memory_space<hbm>>
          tpu.enqueue_dma source(%dma_start3A_183 : memref<2x800xi32, #tpu.memory_space<hbm>>) target(%arg5 : memref<2x800xi32, #tpu.memory_space<vmem>>) target_semaphore(%run_scoped3A : memref<!tpu.dma_semaphore, #tpu.memory_space<semaphore_mem>>)
          %dma_wait3A_184 = arith.constant 0 : i32
          %dma_wait3A_185 = tpu.memref_slice %arg3[%dma_wait3A_184, %add3A_168] : memref<2x1600000xi32, #tpu.memory_space<hbm>> -> memref<2x800xi32, #tpu.memory_space<hbm>>
          %dma_wait3A_186 = arith.constant 0 : i32
          %dma_wait3A_187 = tpu.memref_slice %arg3[%dma_wait3A_186, %add3A_168] : memref<2x1600000xi32, #tpu.memory_space<hbm>> -> memref<2x800xi32, #tpu.memory_space<hbm>>
          tpu.wait_dma2 semaphore(%run_scoped3A : memref<!tpu.dma_semaphore, #tpu.memory_space<semaphore_mem>>) src(%dma_wait3A_187 : memref<2x800xi32, #tpu.memory_space<hbm>>) dst(%arg5 : memref<2x800xi32, #tpu.memory_space<vmem>>)
          tpu.yield
        }) : () -> ()
        %dma_start3A_169 = arith.constant 0 : i32
        %dma_start3A_170 = arith.constant 0 : i32
        %dma_start3A_171 = tpu.memref_slice %arg5[%dma_start3A_169, %dma_start3A_170] : memref<2x800xi32, #tpu.memory_space<vmem>> -> memref<1x800xi32, #tpu.memory_space<vmem>>
        %dma_start3A_172 = tpu.memref_squeeze %dma_start3A_171 : memref<1x800xi32, #tpu.memory_space<vmem>> -> memref<800xi32, #tpu.memory_space<vmem>>
        %dma_start3A_173 = arith.constant 0 : i32
        %dma_start3A_174 = arith.constant 0 : i32
        %dma_start3A_175 = tpu.memref_slice %arg2[%while3A, %dma_start3A_173, %dma_start3A_174] : memref<3x100000x16xf32, #tpu.memory_space<hbm>> -> memref<1x100000x16xf32, #tpu.memory_space<hbm>>
        %dma_start3A_176 = tpu.memref_squeeze %dma_start3A_175 : memref<1x100000x16xf32, #tpu.memory_space<hbm>> -> memref<100000x16xf32, #tpu.memory_space<hbm>>
        %dma_start3A_177 = arith.constant 0 : i32
        %dma_start3A_178 = arith.constant 0 : i32
        %dma_start3A_179 = tpu.memref_slice %dma_start3A_176[%dma_start3A_177, %dma_start3A_178] : memref<100000x16xf32, #tpu.memory_space<hbm>> -> memref<100000x16xf32, #tpu.memory_space<hbm>>
        tpu.enqueue_indirect_dma source(%dma_start3A_179 : memref<100000x16xf32, #tpu.memory_space<hbm>>) target(%arg7 : memref<800x16xf32, #tpu.memory_space<vmem>>) offsets(%dma_start3A_172 : memref<800xi32, #tpu.memory_space<vmem>>) semaphore(%arg10 : memref<!tpu.dma_semaphore, #tpu.memory_space<semaphore_mem>>)
      } else {
      }
      %convert_element_type3A_155 = arith.extui %eq3A_136 : i1 to i32
      %cond3A_156 = arith.constant 0 : i32
      %cond3A_157 = arith.cmpi ne, %convert_element_type3A_155, %cond3A_156 : i32
      scf.if %cond3A_157 {
        %dma_wait3A_164 = arith.constant 0 : i32
        %dma_wait3A_165 = arith.constant 0 : i32
        %dma_wait3A_166 = tpu.memref_slice %arg5[%dma_wait3A_164, %dma_wait3A_165] : memref<2x800xi32, #tpu.memory_space<vmem>> -> memref<1x800xi32, #tpu.memory_space<vmem>>
        %dma_wait3A_167 = tpu.memref_squeeze %dma_wait3A_166 : memref<1x800xi32, #tpu.memory_space<vmem>> -> memref<800xi32, #tpu.memory_space<vmem>>
        %dma_wait3A_168 = arith.constant 0 : i32
        %dma_wait3A_169 = arith.constant 0 : i32
        %dma_wait3A_170 = tpu.memref_slice %arg2[%while3A, %dma_wait3A_168, %dma_wait3A_169] : memref<3x100000x16xf32, #tpu.memory_space<hbm>> -> memref<1x100000x16xf32, #tpu.memory_space<hbm>>
        %dma_wait3A_171 = tpu.memref_squeeze %dma_wait3A_170 : memref<1x100000x16xf32, #tpu.memory_space<hbm>> -> memref<100000x16xf32, #tpu.memory_space<hbm>>
        %dma_wait3A_172 = arith.constant 0 : i32
        %dma_wait3A_173 = arith.constant 0 : i32
        %dma_wait3A_174 = tpu.memref_slice %dma_wait3A_171[%dma_wait3A_172, %dma_wait3A_173] : memref<100000x16xf32, #tpu.memory_space<hbm>> -> memref<100000x16xf32, #tpu.memory_space<hbm>>
        tpu.wait_indirect_dma semaphore(%arg10 : memref<!tpu.dma_semaphore, #tpu.memory_space<semaphore_mem>>) src(%dma_wait3A_174 : memref<100000x16xf32, #tpu.memory_space<hbm>>) dst(%arg7 : memref<800x16xf32, #tpu.memory_space<vmem>>)
        %dma_start3A_175 = arith.constant 1 : i32
        %dma_start3A_176 = arith.constant 0 : i32
        %dma_start3A_177 = tpu.memref_slice %arg5[%dma_start3A_175, %dma_start3A_176] : memref<2x800xi32, #tpu.memory_space<vmem>> -> memref<1x800xi32, #tpu.memory_space<vmem>>
        %dma_start3A_178 = tpu.memref_squeeze %dma_start3A_177 : memref<1x800xi32, #tpu.memory_space<vmem>> -> memref<800xi32, #tpu.memory_space<vmem>>
        %dma_start3A_179 = arith.constant 0 : i32
        %dma_start3A_180 = arith.constant 0 : i32
        %dma_start3A_181 = tpu.memref_slice %arg9[%dma_start3A_179, %dma_start3A_180] : memref<100096x16xf32, #tpu.memory_space<vmem_shared>> -> memref<100096x16xf32, #tpu.memory_space<vmem_shared>>
        tpu.enqueue_indirect_dma source(%arg7 : memref<800x16xf32, #tpu.memory_space<vmem>>) target(%dma_start3A_181 : memref<100096x16xf32, #tpu.memory_space<vmem_shared>>) offsets(%dma_start3A_178 : memref<800xi32, #tpu.memory_space<vmem>>) semaphore(%arg12 : memref<!tpu.dma_semaphore, #tpu.memory_space<semaphore_mem>>) {add = true}
      } else {
      }
      %not3A_158 = arith.constant true
      %not3A_159 = arith.xori %eq3A_136, %not3A_158 : i1
      %convert_element_type3A_160 = arith.extui %not3A_159 : i1 to i32
      %cond3A_161 = arith.constant 0 : i32
      %cond3A_162 = arith.cmpi ne, %convert_element_type3A_160, %cond3A_161 : i32
      scf.if %cond3A_162 {
        %dma_wait3A_164 = arith.constant 0 : i32
        %dma_wait3A_165 = arith.constant 0 : i32
        %dma_wait3A_166 = tpu.memref_slice %arg6[%dma_wait3A_164, %dma_wait3A_165] : memref<2x800xi32, #tpu.memory_space<vmem>> -> memref<1x800xi32, #tpu.memory_space<vmem>>
        %dma_wait3A_167 = tpu.memref_squeeze %dma_wait3A_166 : memref<1x800xi32, #tpu.memory_space<vmem>> -> memref<800xi32, #tpu.memory_space<vmem>>
        %dma_wait3A_168 = arith.constant 0 : i32
        %dma_wait3A_169 = arith.constant 0 : i32
        %dma_wait3A_170 = tpu.memref_slice %arg2[%while3A, %dma_wait3A_168, %dma_wait3A_169] : memref<3x100000x16xf32, #tpu.memory_space<hbm>> -> memref<1x100000x16xf32, #tpu.memory_space<hbm>>
        %dma_wait3A_171 = tpu.memref_squeeze %dma_wait3A_170 : memref<1x100000x16xf32, #tpu.memory_space<hbm>> -> memref<100000x16xf32, #tpu.memory_space<hbm>>
        %dma_wait3A_172 = arith.constant 0 : i32
        %dma_wait3A_173 = arith.constant 0 : i32
        %dma_wait3A_174 = tpu.memref_slice %dma_wait3A_171[%dma_wait3A_172, %dma_wait3A_173] : memref<100000x16xf32, #tpu.memory_space<hbm>> -> memref<100000x16xf32, #tpu.memory_space<hbm>>
        tpu.wait_indirect_dma semaphore(%arg11 : memref<!tpu.dma_semaphore, #tpu.memory_space<semaphore_mem>>) src(%dma_wait3A_174 : memref<100000x16xf32, #tpu.memory_space<hbm>>) dst(%arg8 : memref<800x16xf32, #tpu.memory_space<vmem>>)
        %dma_start3A_175 = arith.constant 1 : i32
        %dma_start3A_176 = arith.constant 0 : i32
        %dma_start3A_177 = tpu.memref_slice %arg6[%dma_start3A_175, %dma_start3A_176] : memref<2x800xi32, #tpu.memory_space<vmem>> -> memref<1x800xi32, #tpu.memory_space<vmem>>
        %dma_start3A_178 = tpu.memref_squeeze %dma_start3A_177 : memref<1x800xi32, #tpu.memory_space<vmem>> -> memref<800xi32, #tpu.memory_space<vmem>>
        %dma_start3A_179 = arith.constant 0 : i32
        %dma_start3A_180 = arith.constant 0 : i32
        %dma_start3A_181 = tpu.memref_slice %arg9[%dma_start3A_179, %dma_start3A_180] : memref<100096x16xf32, #tpu.memory_space<vmem_shared>> -> memref<100096x16xf32, #tpu.memory_space<vmem_shared>>
        tpu.enqueue_indirect_dma source(%arg8 : memref<800x16xf32, #tpu.memory_space<vmem>>) target(%dma_start3A_181 : memref<100096x16xf32, #tpu.memory_space<vmem_shared>>) offsets(%dma_start3A_178 : memref<800xi32, #tpu.memory_space<vmem>>) semaphore(%arg13 : memref<!tpu.dma_semaphore, #tpu.memory_space<semaphore_mem>>) {add = true}
      } else {
      }
      %while3A_163 = arith.constant 0 : i32
      scf.yield %while3A_163 : i32
    }
    %dma_wait3A_107 = arith.constant 1 : i32
    %dma_wait3A_108 = arith.constant 0 : i32
    %dma_wait3A_109 = tpu.memref_slice %arg5[%dma_wait3A_107, %dma_wait3A_108] : memref<2x800xi32, #tpu.memory_space<vmem>> -> memref<1x800xi32, #tpu.memory_space<vmem>>
    %dma_wait3A_110 = tpu.memref_squeeze %dma_wait3A_109 : memref<1x800xi32, #tpu.memory_space<vmem>> -> memref<800xi32, #tpu.memory_space<vmem>>
    %dma_wait3A_111 = arith.constant 0 : i32
    %dma_wait3A_112 = arith.constant 0 : i32
    %dma_wait3A_113 = tpu.memref_slice %arg9[%dma_wait3A_111, %dma_wait3A_112] : memref<100096x16xf32, #tpu.memory_space<vmem_shared>> -> memref<100096x16xf32, #tpu.memory_space<vmem_shared>>
    tpu.wait_indirect_dma semaphore(%arg12 : memref<!tpu.dma_semaphore, #tpu.memory_space<semaphore_mem>>) src(%arg7 : memref<800x16xf32, #tpu.memory_space<vmem>>) dst(%dma_wait3A_113 : memref<100096x16xf32, #tpu.memory_space<vmem_shared>>)
    %dma_wait3A_114 = arith.constant 1 : i32
    %dma_wait3A_115 = arith.constant 0 : i32
    %dma_wait3A_116 = tpu.memref_slice %arg6[%dma_wait3A_114, %dma_wait3A_115] : memref<2x800xi32, #tpu.memory_space<vmem>> -> memref<1x800xi32, #tpu.memory_space<vmem>>
    %dma_wait3A_117 = tpu.memref_squeeze %dma_wait3A_116 : memref<1x800xi32, #tpu.memory_space<vmem>> -> memref<800xi32, #tpu.memory_space<vmem>>
    %dma_wait3A_118 = arith.constant 0 : i32
    %dma_wait3A_119 = arith.constant 0 : i32
    %dma_wait3A_120 = tpu.memref_slice %arg9[%dma_wait3A_118, %dma_wait3A_119] : memref<100096x16xf32, #tpu.memory_space<vmem_shared>> -> memref<100096x16xf32, #tpu.memory_space<vmem_shared>>
    tpu.wait_indirect_dma semaphore(%arg13 : memref<!tpu.dma_semaphore, #tpu.memory_space<semaphore_mem>>) src(%arg8 : memref<800x16xf32, #tpu.memory_space<vmem>>) dst(%dma_wait3A_120 : memref<100096x16xf32, #tpu.memory_space<vmem_shared>>)
    %barrier3A_121 = arith.constant 0 : index
    tpu.barrier barrier_id(%barrier3A_121)
    %add3A_122 = arith.constant 2 : i32
    %add3A_123 = arith.addi %add3A_122, %arg0 : i32
    %scan3A_124 = arith.constant 0 : i32
    %scan3A_125 = arith.constant 0 : i32
    %scan3A_126 = arith.constant 17 : i32
    %scan3A_127 = arith.addi %scan3A_125, %scan3A_126 : i32
    %scan3A_128 = arith.constant 1 : i32
    %scan3A_129 = scf.for %scan3A_131 = %scan3A_125 to %scan3A_127 step %scan3A_128 iter_args(%scan3A_132 = %scan3A_124) -> (i32)  : i32 {
      %mul3A_133 = arith.constant 368 : i32
      %mul3A_134 = arith.muli %scan3A_131, %mul3A_133 : i32
      %add3A_135 = arith.addi %mul3A_0, %mul3A_134 : i32
      "tpu.region"() ({
        %run_scoped3A = tpu.sem_alloc : memref<!tpu.dma_semaphore, #tpu.memory_space<semaphore_mem>>
        %dma_start3A_137 = arith.constant 0 : i32
        %dma_start3A_138 = tpu.memref_slice %arg4[%add3A_123, %add3A_135, %dma_start3A_137] : memref<4x100096x16xf32, #tpu.memory_space<hbm>> -> memref<1x368x16xf32, #tpu.memory_space<hbm>>
        %dma_start3A_139 = tpu.memref_squeeze %dma_start3A_138 : memref<1x368x16xf32, #tpu.memory_space<hbm>> -> memref<368x16xf32, #tpu.memory_space<hbm>>
        %dma_start3A_140 = arith.constant 0 : i32
        %dma_start3A_141 = tpu.memref_slice %arg9[%add3A_135, %dma_start3A_140] : memref<100096x16xf32, #tpu.memory_space<vmem_shared>> -> memref<368x16xf32, #tpu.memory_space<vmem_shared>>
        tpu.enqueue_dma source(%dma_start3A_141 : memref<368x16xf32, #tpu.memory_space<vmem_shared>>) target(%dma_start3A_139 : memref<368x16xf32, #tpu.memory_space<hbm>>) target_semaphore(%run_scoped3A : memref<!tpu.dma_semaphore, #tpu.memory_space<semaphore_mem>>)
        %dma_wait3A_142 = arith.constant 0 : i32
        %dma_wait3A_143 = tpu.memref_slice %arg4[%add3A_123, %add3A_135, %dma_wait3A_142] : memref<4x100096x16xf32, #tpu.memory_space<hbm>> -> memref<1x368x16xf32, #tpu.memory_space<hbm>>
        %dma_wait3A_144 = tpu.memref_squeeze %dma_wait3A_143 : memref<1x368x16xf32, #tpu.memory_space<hbm>> -> memref<368x16xf32, #tpu.memory_space<hbm>>
        %dma_wait3A_145 = arith.constant 0 : i32
        %dma_wait3A_146 = tpu.memref_slice %arg9[%add3A_135, %dma_wait3A_145] : memref<100096x16xf32, #tpu.memory_space<vmem_shared>> -> memref<368x16xf32, #tpu.memory_space<vmem_shared>>
        tpu.wait_dma2 semaphore(%run_scoped3A : memref<!tpu.dma_semaphore, #tpu.memory_space<semaphore_mem>>) src(%dma_wait3A_146 : memref<368x16xf32, #tpu.memory_space<vmem_shared>>) dst(%dma_wait3A_144 : memref<368x16xf32, #tpu.memory_space<hbm>>)
        tpu.yield
      }) : () -> ()
      %scan3A_136 = arith.constant 0 : i32
      scf.yield %scan3A_136 : i32
    }
    %scan3A_130 = arith.constant 17 : i32
    return
  }
}

module attributes {stable_mosaic.version = 14 : i64} {
  func.func @_dense_body(%arg0: i32, %arg1: memref<3x736x128xf32, #tpu.memory_space<vmem>>, %arg2: memref<4x736x128xf32, #tpu.memory_space<vmem>>, %arg3: memref<128x128xf32, #tpu.memory_space<vmem>>, %arg4: memref<128x128xf32, #tpu.memory_space<vmem>>, %arg5: memref<128x128xf32, #tpu.memory_space<vmem>>, %arg6: memref<8x128xf32, #tpu.memory_space<vmem>>, %arg7: memref<3x736x128xf32, #tpu.memory_space<vmem>>) attributes {dimension_semantics = [#tpu.dimension_semantics<arbitrary>], iteration_bounds = array<i64: 17>, scalar_prefetch = 0 : i64, scratch_operands = 0 : i64, tpu.core_type = #tpu.core_type<tc>, window_params = [{transform_indices = @transform_0, window_bounds = array<i64: 3, 736, 128>}, {transform_indices = @transform_1, window_bounds = array<i64: 4, 736, 128>}, {pipeline_mode = #tpu.pipeline_mode<synchronous>, transform_indices = @transform_2, window_bounds = array<i64: 128, 128>}, {pipeline_mode = #tpu.pipeline_mode<synchronous>, transform_indices = @transform_3, window_bounds = array<i64: 128, 128>}, {pipeline_mode = #tpu.pipeline_mode<synchronous>, transform_indices = @transform_4, window_bounds = array<i64: 128, 128>}, {pipeline_mode = #tpu.pipeline_mode<synchronous>, transform_indices = @transform_5, window_bounds = array<i64: 8, 128>}, {transform_indices = @transform_6, window_bounds = array<i64: 3, 736, 128>}]} {
    %get3A = arith.constant 0 : index
    %get3A_0 = arith.constant 0 : index
    %get3A_1 = vector.load %arg3[%get3A, %get3A_0] : memref<128x128xf32, #tpu.memory_space<vmem>>, vector<128x128xf32>
    %get3A_2 = arith.constant 0 : index
    %get3A_3 = arith.constant 0 : index
    %get3A_4 = vector.load %arg4[%get3A_2, %get3A_3] : memref<128x128xf32, #tpu.memory_space<vmem>>, vector<128x128xf32>
    %get3A_5 = arith.constant 0 : index
    %get3A_6 = arith.constant 0 : index
    %get3A_7 = vector.load %arg5[%get3A_5, %get3A_6] : memref<128x128xf32, #tpu.memory_space<vmem>>, vector<128x128xf32>
    %get3A_8 = arith.constant 0 : index
    %get3A_9 = arith.constant 0 : index
    %get3A_10 = vector.load %arg6[%get3A_8, %get3A_9] : memref<8x128xf32, #tpu.memory_space<vmem>>, vector<1x128xf32>
    %broadcast_in_dim3A = arith.constant 0.000000e+00 : f32
    %broadcast_in_dim3A_11 = vector.broadcast %broadcast_in_dim3A : f32 to vector<736x128xf32>
    %broadcast_in_dim3A_12 = arith.constant 0.000000e+00 : f32
    %broadcast_in_dim3A_13 = vector.broadcast %broadcast_in_dim3A_12 : f32 to vector<736x128xf32>
    %get3A_14 = arith.constant 0 : index
    %get3A_15 = arith.constant 0 : index
    %get3A_16 = arith.constant 0 : index
    %get3A_17 = vector.load %arg1[%get3A_14, %get3A_15, %get3A_16] : memref<3x736x128xf32, #tpu.memory_space<vmem>>, vector<1x736x128xf32>
    %get3A_18 = vector.shape_cast %get3A_17 : vector<1x736x128xf32> to vector<736x128xf32>
    %get3A_19 = arith.constant 0 : index
    %get3A_20 = arith.constant 0 : index
    %get3A_21 = arith.constant 0 : index
    %get3A_22 = vector.load %arg2[%get3A_19, %get3A_20, %get3A_21] : memref<4x736x128xf32, #tpu.memory_space<vmem>>, vector<1x736x128xf32>
    %get3A_23 = vector.shape_cast %get3A_22 : vector<1x736x128xf32> to vector<736x128xf32>
    %dot_general3A = arith.constant dense<0.000000e+00> : vector<736x128xf32>
    %dot_general3A_24 = tpu.matmul %get3A_18, %get3A_1, %dot_general3A {dimension_numbers = #tpu.dot_dimension_numbers<[1], [0], [0], [1], [0, 0, 1, 1], [], []>, transpose_lhs_hint = false} : vector<736x128xf32>, vector<128x128xf32>, vector<736x128xf32> -> vector<736x128xf32>
    %dot_general3A_25 = arith.constant dense<0.000000e+00> : vector<736x128xf32>
    %dot_general3A_26 = tpu.matmul %get3A_23, %get3A_4, %dot_general3A_25 {dimension_numbers = #tpu.dot_dimension_numbers<[1], [0], [0], [1], [0, 0, 1, 1], [], []>, transpose_lhs_hint = false} : vector<736x128xf32>, vector<128x128xf32>, vector<736x128xf32> -> vector<736x128xf32>
    %add3A = arith.addf %dot_general3A_24, %dot_general3A_26 : vector<736x128xf32>
    %add3A_27 = vector.broadcast %get3A_10 : vector<1x128xf32> to vector<736x128xf32>
    %add3A_28 = arith.addf %add3A, %add3A_27 : vector<736x128xf32>
    %dot_general3A_29 = arith.constant dense<0.000000e+00> : vector<736x128xf32>
    %dot_general3A_30 = tpu.matmul %add3A_28, %get3A_7, %dot_general3A_29 {dimension_numbers = #tpu.dot_dimension_numbers<[1], [0], [0], [1], [0, 0, 1, 1], [], []>, transpose_lhs_hint = false} : vector<736x128xf32>, vector<128x128xf32>, vector<736x128xf32> -> vector<736x128xf32>
    %mul3A = arith.mulf %add3A_28, %dot_general3A_30 : vector<736x128xf32>
    %add3A_31 = arith.addf %broadcast_in_dim3A_11, %mul3A : vector<736x128xf32>
    %mul3A_32 = arith.mulf %dot_general3A_30, %dot_general3A_30 : vector<736x128xf32>
    %add3A_33 = arith.addf %broadcast_in_dim3A_13, %mul3A_32 : vector<736x128xf32>
    %get3A_34 = arith.constant 1 : index
    %get3A_35 = arith.constant 0 : index
    %get3A_36 = arith.constant 0 : index
    %get3A_37 = vector.load %arg1[%get3A_34, %get3A_35, %get3A_36] : memref<3x736x128xf32, #tpu.memory_space<vmem>>, vector<1x736x128xf32>
    %get3A_38 = vector.shape_cast %get3A_37 : vector<1x736x128xf32> to vector<736x128xf32>
    %get3A_39 = arith.constant 1 : index
    %get3A_40 = arith.constant 0 : index
    %get3A_41 = arith.constant 0 : index
    %get3A_42 = vector.load %arg2[%get3A_39, %get3A_40, %get3A_41] : memref<4x736x128xf32, #tpu.memory_space<vmem>>, vector<1x736x128xf32>
    %get3A_43 = vector.shape_cast %get3A_42 : vector<1x736x128xf32> to vector<736x128xf32>
    %dot_general3A_44 = arith.constant dense<0.000000e+00> : vector<736x128xf32>
    %dot_general3A_45 = tpu.matmul %get3A_38, %get3A_1, %dot_general3A_44 {dimension_numbers = #tpu.dot_dimension_numbers<[1], [0], [0], [1], [0, 0, 1, 1], [], []>, transpose_lhs_hint = false} : vector<736x128xf32>, vector<128x128xf32>, vector<736x128xf32> -> vector<736x128xf32>
    %dot_general3A_46 = arith.constant dense<0.000000e+00> : vector<736x128xf32>
    %dot_general3A_47 = tpu.matmul %get3A_43, %get3A_4, %dot_general3A_46 {dimension_numbers = #tpu.dot_dimension_numbers<[1], [0], [0], [1], [0, 0, 1, 1], [], []>, transpose_lhs_hint = false} : vector<736x128xf32>, vector<128x128xf32>, vector<736x128xf32> -> vector<736x128xf32>
    %add3A_48 = arith.addf %dot_general3A_45, %dot_general3A_47 : vector<736x128xf32>
    %add3A_49 = vector.broadcast %get3A_10 : vector<1x128xf32> to vector<736x128xf32>
    %add3A_50 = arith.addf %add3A_48, %add3A_49 : vector<736x128xf32>
    %dot_general3A_51 = arith.constant dense<0.000000e+00> : vector<736x128xf32>
    %dot_general3A_52 = tpu.matmul %add3A_50, %get3A_7, %dot_general3A_51 {dimension_numbers = #tpu.dot_dimension_numbers<[1], [0], [0], [1], [0, 0, 1, 1], [], []>, transpose_lhs_hint = false} : vector<736x128xf32>, vector<128x128xf32>, vector<736x128xf32> -> vector<736x128xf32>
    %mul3A_53 = arith.mulf %add3A_50, %dot_general3A_52 : vector<736x128xf32>
    %add3A_54 = arith.addf %add3A_31, %mul3A_53 : vector<736x128xf32>
    %mul3A_55 = arith.mulf %dot_general3A_52, %dot_general3A_52 : vector<736x128xf32>
    %add3A_56 = arith.addf %add3A_33, %mul3A_55 : vector<736x128xf32>
    %get3A_57 = arith.constant 2 : index
    %get3A_58 = arith.constant 0 : index
    %get3A_59 = arith.constant 0 : index
    %get3A_60 = vector.load %arg1[%get3A_57, %get3A_58, %get3A_59] : memref<3x736x128xf32, #tpu.memory_space<vmem>>, vector<1x736x128xf32>
    %get3A_61 = vector.shape_cast %get3A_60 : vector<1x736x128xf32> to vector<736x128xf32>
    %get3A_62 = arith.constant 2 : index
    %get3A_63 = arith.constant 0 : index
    %get3A_64 = arith.constant 0 : index
    %get3A_65 = vector.load %arg2[%get3A_62, %get3A_63, %get3A_64] : memref<4x736x128xf32, #tpu.memory_space<vmem>>, vector<1x736x128xf32>
    %get3A_66 = vector.shape_cast %get3A_65 : vector<1x736x128xf32> to vector<736x128xf32>
    %get3A_67 = arith.constant 3 : index
    %get3A_68 = arith.constant 0 : index
    %get3A_69 = arith.constant 0 : index
    %get3A_70 = vector.load %arg2[%get3A_67, %get3A_68, %get3A_69] : memref<4x736x128xf32, #tpu.memory_space<vmem>>, vector<1x736x128xf32>
    %get3A_71 = vector.shape_cast %get3A_70 : vector<1x736x128xf32> to vector<736x128xf32>
    %add3A_72 = arith.addf %get3A_66, %get3A_71 : vector<736x128xf32>
    %dot_general3A_73 = arith.constant dense<0.000000e+00> : vector<736x128xf32>
    %dot_general3A_74 = tpu.matmul %get3A_61, %get3A_1, %dot_general3A_73 {dimension_numbers = #tpu.dot_dimension_numbers<[1], [0], [0], [1], [0, 0, 1, 1], [], []>, transpose_lhs_hint = false} : vector<736x128xf32>, vector<128x128xf32>, vector<736x128xf32> -> vector<736x128xf32>
    %dot_general3A_75 = arith.constant dense<0.000000e+00> : vector<736x128xf32>
    %dot_general3A_76 = tpu.matmul %add3A_72, %get3A_4, %dot_general3A_75 {dimension_numbers = #tpu.dot_dimension_numbers<[1], [0], [0], [1], [0, 0, 1, 1], [], []>, transpose_lhs_hint = false} : vector<736x128xf32>, vector<128x128xf32>, vector<736x128xf32> -> vector<736x128xf32>
    %add3A_77 = arith.addf %dot_general3A_74, %dot_general3A_76 : vector<736x128xf32>
    %add3A_78 = vector.broadcast %get3A_10 : vector<1x128xf32> to vector<736x128xf32>
    %add3A_79 = arith.addf %add3A_77, %add3A_78 : vector<736x128xf32>
    %dot_general3A_80 = arith.constant dense<0.000000e+00> : vector<736x128xf32>
    %dot_general3A_81 = tpu.matmul %add3A_79, %get3A_7, %dot_general3A_80 {dimension_numbers = #tpu.dot_dimension_numbers<[1], [0], [0], [1], [0, 0, 1, 1], [], []>, transpose_lhs_hint = false} : vector<736x128xf32>, vector<128x128xf32>, vector<736x128xf32> -> vector<736x128xf32>
    %mul3A_82 = arith.mulf %add3A_79, %dot_general3A_81 : vector<736x128xf32>
    %add3A_83 = arith.addf %add3A_54, %mul3A_82 : vector<736x128xf32>
    %mul3A_84 = arith.mulf %dot_general3A_81, %dot_general3A_81 : vector<736x128xf32>
    %add3A_85 = arith.addf %add3A_56, %mul3A_84 : vector<736x128xf32>
    %ge3A = arith.constant 0.000000e+00 : f32
    %ge3A_86 = vector.broadcast %ge3A : f32 to vector<736x128xf32>
    %ge3A_87 = arith.cmpf oge, %add3A_83, %ge3A_86 : vector<736x128xf32>
    %broadcast_in_dim3A_88 = arith.constant 0.000000e+00 : f32
    %broadcast_in_dim3A_89 = vector.broadcast %broadcast_in_dim3A_88 : f32 to vector<736x128xf32>
    %mul3A_90 = arith.constant 8.000000e-01 : f32
    %mul3A_91 = vector.broadcast %mul3A_90 : f32 to vector<736x128xf32>
    %mul3A_92 = arith.mulf %mul3A_91, %add3A_83 : vector<736x128xf32>
    %add3A_93 = arith.constant 9.99999997E-7 : f32
    %add3A_94 = vector.broadcast %add3A_93 : f32 to vector<736x128xf32>
    %add3A_95 = arith.addf %add3A_85, %add3A_94 : vector<736x128xf32>
    %div3A = arith.divf %mul3A_92, %add3A_95 : vector<736x128xf32>
    %select_n3A = arith.select %ge3A_87, %broadcast_in_dim3A_89, %div3A : vector<736x128xi1>, vector<736x128xf32>
    %get3A_96 = arith.constant 0 : index
    %get3A_97 = arith.constant 0 : index
    %get3A_98 = arith.constant 0 : index
    %get3A_99 = vector.load %arg1[%get3A_96, %get3A_97, %get3A_98] : memref<3x736x128xf32, #tpu.memory_space<vmem>>, vector<1x736x128xf32>
    %get3A_100 = vector.shape_cast %get3A_99 : vector<1x736x128xf32> to vector<736x128xf32>
    %add3A_101 = arith.addf %get3A_100, %add3A_28 : vector<736x128xf32>
    %mul3A_102 = arith.mulf %select_n3A, %dot_general3A_30 : vector<736x128xf32>
    %sub3A = arith.subf %add3A_101, %mul3A_102 : vector<736x128xf32>
    %swap3A = arith.constant 0 : index
    %swap3A_103 = arith.constant 0 : index
    %swap3A_104 = arith.constant 0 : index
    %swap3A_105 = vector.load %arg7[%swap3A, %swap3A_103, %swap3A_104] : memref<3x736x128xf32, #tpu.memory_space<vmem>>, vector<1x736x128xf32>
    %swap3A_106 = vector.shape_cast %swap3A_105 : vector<1x736x128xf32> to vector<736x128xf32>
    %swap3A_107 = vector.shape_cast %sub3A : vector<736x128xf32> to vector<1x736x128xf32>
    tpu.vector_store %arg7[%swap3A, %swap3A_103, %swap3A_104], %swap3A_107 {strides = array<i32>} : memref<3x736x128xf32, #tpu.memory_space<vmem>>, vector<1x736x128xf32>,
    %get3A_108 = arith.constant 1 : index
    %get3A_109 = arith.constant 0 : index
    %get3A_110 = arith.constant 0 : index
    %get3A_111 = vector.load %arg1[%get3A_108, %get3A_109, %get3A_110] : memref<3x736x128xf32, #tpu.memory_space<vmem>>, vector<1x736x128xf32>
    %get3A_112 = vector.shape_cast %get3A_111 : vector<1x736x128xf32> to vector<736x128xf32>
    %add3A_113 = arith.addf %get3A_112, %add3A_50 : vector<736x128xf32>
    %mul3A_114 = arith.mulf %select_n3A, %dot_general3A_52 : vector<736x128xf32>
    %sub3A_115 = arith.subf %add3A_113, %mul3A_114 : vector<736x128xf32>
    %swap3A_116 = arith.constant 1 : index
    %swap3A_117 = arith.constant 0 : index
    %swap3A_118 = arith.constant 0 : index
    %swap3A_119 = vector.load %arg7[%swap3A_116, %swap3A_117, %swap3A_118] : memref<3x736x128xf32, #tpu.memory_space<vmem>>, vector<1x736x128xf32>
    %swap3A_120 = vector.shape_cast %swap3A_119 : vector<1x736x128xf32> to vector<736x128xf32>
    %swap3A_121 = vector.shape_cast %sub3A_115 : vector<736x128xf32> to vector<1x736x128xf32>
    tpu.vector_store %arg7[%swap3A_116, %swap3A_117, %swap3A_118], %swap3A_121 {strides = array<i32>} : memref<3x736x128xf32, #tpu.memory_space<vmem>>, vector<1x736x128xf32>,
    %get3A_122 = arith.constant 2 : index
    %get3A_123 = arith.constant 0 : index
    %get3A_124 = arith.constant 0 : index
    %get3A_125 = vector.load %arg1[%get3A_122, %get3A_123, %get3A_124] : memref<3x736x128xf32, #tpu.memory_space<vmem>>, vector<1x736x128xf32>
    %get3A_126 = vector.shape_cast %get3A_125 : vector<1x736x128xf32> to vector<736x128xf32>
    %add3A_127 = arith.addf %get3A_126, %add3A_79 : vector<736x128xf32>
    %mul3A_128 = arith.mulf %select_n3A, %dot_general3A_81 : vector<736x128xf32>
    %sub3A_129 = arith.subf %add3A_127, %mul3A_128 : vector<736x128xf32>
    %swap3A_130 = arith.constant 2 : index
    %swap3A_131 = arith.constant 0 : index
    %swap3A_132 = arith.constant 0 : index
    %swap3A_133 = vector.load %arg7[%swap3A_130, %swap3A_131, %swap3A_132] : memref<3x736x128xf32, #tpu.memory_space<vmem>>, vector<1x736x128xf32>
    %swap3A_134 = vector.shape_cast %swap3A_133 : vector<1x736x128xf32> to vector<736x128xf32>
    %swap3A_135 = vector.shape_cast %sub3A_129 : vector<736x128xf32> to vector<1x736x128xf32>
    tpu.vector_store %arg7[%swap3A_130, %swap3A_131, %swap3A_132], %swap3A_135 {strides = array<i32>} : memref<3x736x128xf32, #tpu.memory_space<vmem>>, vector<1x736x128xf32>,
    return
  }
  func.func @transform_0(%arg0: i32) -> (i32, i32, i32) {
    %c0_i32 = arith.constant 0 : i32
    %c0_i32_0 = arith.constant 0 : i32
    %c0_i32_1 = arith.constant 0 : i32
    return %c0_i32, %arg0, %c0_i32_0 : i32, i32, i32
  }
  func.func @transform_1(%arg0: i32) -> (i32, i32, i32) {
    %c0_i32 = arith.constant 0 : i32
    %c0_i32_0 = arith.constant 0 : i32
    %c0_i32_1 = arith.constant 0 : i32
    return %c0_i32, %arg0, %c0_i32_0 : i32, i32, i32
  }
  func.func @transform_2(%arg0: i32) -> (i32, i32) {
    %c0_i32 = arith.constant 0 : i32
    %c0_i32_0 = arith.constant 0 : i32
    %c0_i32_1 = arith.constant 0 : i32
    return %c0_i32, %c0_i32_0 : i32, i32
  }
  func.func @transform_3(%arg0: i32) -> (i32, i32) {
    %c0_i32 = arith.constant 0 : i32
    %c0_i32_0 = arith.constant 0 : i32
    %c0_i32_1 = arith.constant 0 : i32
    return %c0_i32, %c0_i32_0 : i32, i32
  }
  func.func @transform_4(%arg0: i32) -> (i32, i32) {
    %c0_i32 = arith.constant 0 : i32
    %c0_i32_0 = arith.constant 0 : i32
    %c0_i32_1 = arith.constant 0 : i32
    return %c0_i32, %c0_i32_0 : i32, i32
  }
  func.func @transform_5(%arg0: i32) -> (i32, i32) {
    %c0_i32 = arith.constant 0 : i32
    %c0_i32_0 = arith.constant 0 : i32
    %c0_i32_1 = arith.constant 0 : i32
    return %c0_i32, %c0_i32_0 : i32, i32
  }
  func.func @transform_6(%arg0: i32) -> (i32, i32, i32) {
    %c0_i32 = arith.constant 0 : i32
    %c0_i32_0 = arith.constant 0 : i32
    %c0_i32_1 = arith.constant 0 : i32
    return %c0_i32, %arg0, %c0_i32_0 : i32, i32, i32
  }
}

</mosaic_0001>

<sc_bundles>
// kernel: kernel.4.cloned.1.call-start
scs
__scs_entry_jumppad:
0x0: {  	(pc) =	sbr.rel $0x88, $3  }
0x1: {  	(tag) =	ssettag $0x0;
	lr =	simm.s32 $0x1  }
0x2: {  	[smem:$0x3F9A] =	sst lr;
	_ =	strace $0xD0000000  }
0x3: {  	_ = 	snop  }
0x4: {  	_ = 	snop  }
0x5: {  	_ = 	snop  }
0x6: {  	_ = 	snop  }
0x7: {  	_ = 	snop  }
__scs_overlays_trampoline_lowered:
0x8: {  	[smem:$0x3FA9] =	sst s0  }
0x9: {  	[smem:$0x3FAA] =	sst s1  }
0xa: {  	[smem:$0x3FAB] =	sst s2  }
0xb: {  	[smem:$0x3FAC] =	sst s3  }
0xc: {  	[smem:$0x3FAD] =	sst s4  }
0xd: {  	[smem:$0x3FAE] =	sst s5  }
0xe: {  	[smem:$0x3FAF] =	sst s6  }
0xf: {  	[smem:$0x3FB0] =	sst s7  }
0x10: {  	[smem:$0x3FB1] =	sst s8  }
0x11: {  	[smem:$0x3FB2] =	sst s9;
	s0 =	simm.s32 @!p0 $0x0  }
0x12: {  	s1 =	sld [smem:$0x3F98];
	s0 =	simm.s32 @p0 $0x1  }
0x13: {  	[smem:$0x3FB3] =	sst s0;
	s0 =	simm.s32 @!p1 $0x0  }
0x14: {  	s2 =	sld [smem:$0x3F97];
	s0 =	simm.s32 @p1 $0x1  }
0x15: {  	[smem:$0x3FB4] =	sst s0;
	s0 =	simm.s32 @!p2 $0x0  }
0x16: {  	s3 =	sld [smem:$0x3FDB];
	s0 =	simm.s32 @p2 $0x1  }
0x17: {  	s4 =	simm.s32 $0x1BF5;
	[smem:$0x3FB6] =	sst s0  }
0x18: {  	s0 =	sld [smem:$0x3F99];
	_ =	swait.ge [sflag:s4], $0x0  }
0x19: {  	s7 =	sld [smem:$0x3F9A]  }
0x1a: {  	s8 =	sadd.s32 $0xFFFFE003, lr  }
0x1b: {  	s9 =	sadd.s32 $0xFFFFFEF7, lr;
	s5 =	simm.s32 $0xFFFFFFFF;
	p2 =	slt.u32 s8, $0xFFFFF086  }
0x1c: {  	p1 =	slt.u32 s9, $0xF7A;
	s5 =	simm.s32 @!p2 $0x0  }
0x1d: {  	s5 =	simm.s32 @p1 $0x1;
	p0 =	seq.s32 s7, s2  }
0x1e: {  	s7 =	smul.u32 @!p0 $0xF7A, s2;
	p2 =	seq.s32 @!p0 s5, $0x0  }
0x1f: {  	s9 =	smul.u32 $0xF7A, s1;
	s8 =	simm.s32 @!p0 $0x1BF5;
	p2 =	por !p2, p0  }
0x20: {  	[sflag:s8] =	ssyncset.s32 @!p0 $0xFFFFF086;
	s6 =	sadd.s32 @!p0 s3, s7;
	s7 =	simm.s32 @!p0 $0x108  }
0x21: {  	s3 =	sadd.s32 s3, s9;
	s6 =	sadd.s32 @!p0 $0x88, s6;
	s7 =	simm.s32 @p2 $0x1082  }
0x22: {  	[simem:s7], [sflag:s8] =	dma.local @!p0 [hbm:s6], $0xF7A  }
0x23: {  	s9 =	sor.u32 $0xD0000000, s2;
	s6 =	simm.s32 $0x108;
	_ =	swait.ge @!p0 [sflag:s8], $0x0  }
0x24: {  	s3 =	sadd.s32 $0x88, s3;
	s6 =	simm.s32 @!p1 $0x1082;
	[sflag:s4] =	ssyncset.s32 $0xFFFFF086  }
0x25: {  	[simem:s6], [sflag:s4] =	dma.local [hbm:s3], $0xF7A  }
0x26: {  	[smem:$0x3F9A] =	sst s1;
	(tag) =	ssettag s2;
	_ =	strace s9  }
0x27: {  	s1 =	sld [smem:$0x3FAA]  }
0x28: {  	s2 =	sld [smem:$0x3FAB]  }
0x29: {  	s4 =	sld [smem:$0x3FAD]  }
0x2a: {  	p0 =	seq.s32 s5, $0x0;
	s5 =	sld [smem:$0x3FAE]  }
0x2b: {  	s6 =	sld [smem:$0x3FAF]  }
0x2c: {  	s7 =	sld [smem:$0x3FB0]  }
0x2d: {  	s3 =	simm.s32 $0x108;
	s8 =	sld [smem:$0x3FB1]  }
0x2e: {  	s3 =	simm.s32 @!p0 $0x1082;
	s9 =	sld [smem:$0x3FB2]  }
0x2f: {  	lr =	sadd.s32 s0, s3;
	s0 =	sld [smem:$0x3FA9]  }
0x30: {  	s3 =	sld [smem:$0x3FAC]  }
0x31: {  	[smem:$0x3FB5] =	sst s10  }
0x32: {  	s10 =	sld [smem:$0x3FB3];
	_ =	sdelay $0x3  }
0x33: {  	p0 =	seq.s32 s10, $0x1;
	s10 =	sld [smem:$0x3FB5];
	_ =	sdelay $0x3  }
0x34: {  	[smem:$0x3FB5] =	sst s10  }
0x35: {  	s10 =	sld [smem:$0x3FB4];
	_ =	sdelay $0x3  }
0x36: {  	p1 =	seq.s32 s10, $0x1;
	s10 =	sld [smem:$0x3FB5];
	_ =	sdelay $0x3  }
0x37: {  	[smem:$0x3FB5] =	sst s10  }
0x38: {  	s10 =	sld [smem:$0x3FB6]  }
0x39: {  	_ = 	snop;
	(pc) =	sbr.ind lr, $3  }
0x3a: {  	_ = 	snop  }
0x3b: {  	_ = 	snop  }
0x3c: {  	p2 =	seq.s32 s10, $0x1;
	s10 =	sld [smem:$0x3FB5]  }
0x3d: {  	_ =	shalt  }
0x3e: {  	_ =	shalt  }
0x3f: {  	_ =	shalt  }
0x40: {  	_ =	shalt  }
0x41: {  	_ =	shalt  }
0x42: {  	_ =	shalt  }
0x43: {  	_ =	shalt  }
0x44: {  	_ =	shalt  }
0x45: {  	_ =	shalt  }
0x46: {  	_ =	shalt  }
0x47: {  	_ =	shalt  }
0x48: {  	_ =	shalt  }
0x49: {  	_ =	shalt  }
0x4a: {  	_ =	shalt  }
0x4b: {  	_ =	shalt  }
0x4c: {  	_ =	shalt  }
0x4d: {  	_ =	shalt  }
0x4e: {  	_ =	shalt  }
0x4f: {  	_ =	shalt  }
0x50: {  	_ =	shalt  }
0x51: {  	_ =	shalt  }
0x52: {  	_ =	shalt  }
0x53: {  	_ =	shalt  }
0x54: {  	_ =	shalt  }
0x55: {  	_ =	shalt  }
0x56: {  	_ =	shalt  }
0x57: {  	_ =	shalt  }
0x58: {  	_ =	shalt  }
0x59: {  	_ =	shalt  }
0x5a: {  	_ =	shalt  }
0x5b: {  	_ =	shalt  }
0x5c: {  	_ =	shalt  }
0x5d: {  	_ =	shalt  }
0x5e: {  	_ =	shalt  }
0x5f: {  	_ =	shalt  }
0x60: {  	_ =	shalt  }
0x61: {  	_ =	shalt  }
0x62: {  	_ =	shalt  }
0x63: {  	_ =	shalt  }
0x64: {  	_ =	shalt  }
0x65: {  	_ =	shalt  }
0x66: {  	_ =	shalt  }
0x67: {  	_ =	shalt  }
0x68: {  	_ =	shalt  }
0x69: {  	_ =	shalt  }
0x6a: {  	_ =	shalt  }
0x6b: {  	_ =	shalt  }
0x6c: {  	_ =	shalt  }
0x6d: {  	_ =	shalt  }
0x6e: {  	_ =	shalt  }
0x6f: {  	_ =	shalt  }
0x70: {  	_ =	shalt  }
0x71: {  	_ =	shalt  }
0x72: {  	_ =	shalt  }
0x73: {  	_ =	shalt  }
0x74: {  	_ =	shalt  }
0x75: {  	_ =	shalt  }
0x76: {  	_ =	shalt  }
0x77: {  	_ =	shalt  }
0x78: {  	_ =	shalt  }
0x79: {  	_ =	shalt  }
0x7a: {  	_ =	shalt  }
0x7b: {  	_ =	shalt  }
0x7c: {  	_ =	shalt  }
0x7d: {  	_ =	shalt  }
0x7e: {  	_ =	shalt  }
0x7f: {  	_ =	shalt  }
0x80: {  	_ =	shalt  }
0x81: {  	_ =	shalt  }
0x82: {  	_ =	shalt  }
0x83: {  	_ =	shalt  }
0x84: {  	_ =	shalt  }
0x85: {  	_ =	shalt  }
0x86: {  	_ =	shalt  }
0x87: {  	_ =	shalt  }
.Lfunc_end0:
.L_simem_size_0:
called_computation_lowered:
.L_overlay_start_0:
0x88: {  	s2 =	sld [smem:$0x3FD9]  }
0x89: {  	s3 =	sld [smem:$0x3FFE];
	_ =	sdelay $0x1  }
0x8a: {  	s1 =	srdreg.scid  }
0x8b: {  	s0 =	sand.u32 $0x1, s1  }
0x8c: {  	s14 =	sshll.u32 s0, $0xA;
	s2 =	sadd.s32 s3, s2  }
0x8d: {  	s2 =	sadd.s32 s2, s14  }
0x8e: {  	[smem:$0x3FC1] =	sst s2  }
0x8f: {  	_ = 	snop  }
0x90: {  	s2 =	sld [smem:$0x3FD0];
	_ =	sdelay $0x2  }
0x91: {  	s15 =	simm.s32 $0xA;
	s4 =	simm.s32 $0x10  }
0x92: {  	[smem:s4], [sflag:s15] =	dma.local [hbm:s2], $0x1  }
0x93: {  	_ =	swait.eq [sflag:s15], $0x1  }
0x94: {  	[sflag:s15] =	ssyncset.done $0x0  }
0x95: {  	s16 =	sld [smem:$0x10];
	[sflag:s15] =	ssyncadd.s32 $0xFFFFFFFF  }
0x96: {  	s17 =	sld [smem:$0x11];
	(tm) =	ssettm $0x1  }
0x97: {  	s18 =	sld [smem:$0x3FFB];
	_ =	sdelay $0x3  }
0x98: {  	_ =	strace s18  }
0x99: {  	s4 =	sld [smem:$0x3FFC];
	_ =	sdelay $0x3  }
0x9a: {  	_ =	strace s4  }
0x9b: {  	s4 =	sld [smem:$0x3FFD];
	_ =	sdelay $0x3  }
0x9c: {  	_ =	strace s4  }
0x9d: {  	_ =	strace $0x8FFFFFFF  }
0x9e: {  	s19 =	sld [smem:$0x3FDB];
	_ =	sdelay $0x1  }
0x9f: {  	s5 =	simm.s32 $_scs_section_size  }
0xa0: {  	s6 =	simm.s32 $_size__tile_overlayer_lowered;
	s7 =	simm.s32 $_tile_overlayer_lowered  }
0xa1: {  	s22 =	simm.s32 $0x1BFF;
	s21 =	sshll.u32 s7, $0x1;
	s4 =	sadd.s32 s5, s19  }
0xa2: {  	s8 =	simm.s32 $0x0;
	s20 =	sshll.u32 s6, $0x1;
	s6 =	sadd.s32 s21, s4  }
0xa3: {  	[timem:s8], [sflag:s22] =	dma.local [hbm:s6], s20  }
0xa4: {  	_ =	swait.ge [sflag:s22], s20  }
0xa5: {  	s5 =	ssub.s32 $0x0, s20;
	[sflag:s22] =	ssyncset.done $0x0  }
0xa6: {  	[sflag:s22] =	ssyncadd.s32 s5;
	_ =	sdelay $0x1  }
0xa7: {  	s23 =	simm.s32 $0x1B8B  }
0xa8: {  	_ =	swait.ge [sflag:s23], $0x1  }
0xa9: {  	[sflag:s23] =	ssyncset.done $0x0  }
0xaa: {  	s25 =	simm.s32 $0x1B8E;
	s24 =	sld [smem:$0x3FFE];
	[sflag:s23] =	ssyncadd.s32 $0xFFFFFFFF  }
0xab: {  	s26 =	simm.s32 $execute0_lowered;
	[smem:$0x3FD2] =	sst s25  }
0xac: {  	s6 =	sshll.u32 s26, $0x1;
	_ =	strace $0x80000046;
	[dreg:$0x1] =	wrdreg $0xFFFFFFFF  }
0xad: {  	s28 =	simm.s32 $_size_execute0_lowered;
	s4 =	sadd.s32 s4, s6;
	[dreg:$0x0] =	wrdreg $0x0  }
0xae: {  	s6 =	sshll.u32 s28, $0x1;
	[dreg:$0x2] =	wrdreg s4  }
0xaf: {  	[dreg:$0x3] =	wrdreg s6  }
0xb0: {  	[dreg:$0x4] =	wrdreg $0xC0  }
0xb1: {  	_ =	task [dreg:s8], $0x5FFFF  }
0xb2: {  	[dreg:$0x1] =	wrdreg $0xFFFFFFFF  }
0xb3: {  	[dreg:$0x0] =	wrdreg $0x60  }
0xb4: {  	[dreg:$0x2] =	wrdreg s16  }
0xb5: {  	[dreg:$0x3] =	wrdreg s17  }
0xb6: {  	[dreg:$0x4] =	wrdreg s24  }
0xb7: {  	[dreg:$0x5] =	wrdreg $0x70800  }
0xb8: {  	[dreg:$0x6] =	wrdreg $0x9  }
0xb9: {  	_ =	task.clear_ibuf [dreg:s8], $0x7FFFF;
	_ =	strace $0x90000046  }
0xba: {  	s29 =	simm.s32 $0x9;
	_ =	strace $0x80000048  }
0xbb: {  	_ =	swait.ge [sflag:s29], $0x1  }
0xbc: {  	[sflag:s29] =	ssyncadd.s32 $0xFFFFFFFF  }
0xbd: {  	_ =	strace $0x90000048  }
0xbe: {  	_ =	sfence  }
0xbf: {  	s30 =	sld [smem:$0x0];
	_ =	sdelay $0x2  }
0xc0: {  	s31 =	sshll.u32 s1, $0xD;
	s1 =	sshrl.u32 s1, $0x2  }
0xc1: {  	s3 =	sand.u32 $0x4000, s31;
	s1 =	sadd.s32 s1, s30  }
0xc2: {  	s0 =	sor.u32 s3, s0;
	s1 =	sshll.u32 s1, $0x11  }
0xc3: {  	s0 =	sor.u32 s1, s0  }
0xc4: {  	s0 =	sadd.s32 $0x8F2B, s0  }
0xc5: {  	[sflag:s0] =	ssyncadd.remote.s32 $0x1  }
0xc6: {  	_ =	sfence.sel $0xFFFF  }
0xc7: {  	[dreg:$0x0] =	wrdreg $0xFFFFFFFF;
	(pc) =	sbr.abs _section_cstart, $3  }
0xc8: {  	[dreg:$0x1] =	wrdreg $0xFFFFFFFF  }
0xc9: {  	_ =	task.clear_ibuf [dreg:s8], $0x2FFFF;
	_ =	strace $0x9FFFFFFF  }
0xca: {  	(tm) =	ssettm $0x7FFFFFFF  }
0xcb: {  	_ =	shalt  }
tec
execute0_lowered:
.L_overlay_start_1:
0x0: {  	(tag) =	ssettag $0x1  }
0x1: {  	s0 =	rddreg [dreg:$0x0]  }
0x2: {  	s1 =	rddreg [dreg:$0x1];
	s2 =	srdreg.scid  }
0x3: {  	s3 =	rddreg [dreg:$0x2];
	s13 =	stileid.u32;
	s4 =	simm.s32 $0x0  }
0x4: {  	s31 =	simm.s32 $0x186A00;
	s5 =	sand.u32 $0x1, s2;
	s2 =	rddreg [dreg:$0x3]  }
0x5: {  	s6 =	smul.u32 $0x30D4, s13;
	[smem:$0x7FF] =	sst s4;
	s3 =	sadd.s32 $0x496E00, s3  }
0x6: {  	s18 =	smul.u32 $0x61C00, s13;
	s7 =	sxor.u32 $0x3F, s5;
	s9 =	ssub.s32 $0x2, s5  }
0x7: {  	[dreg:$0x5] =	wrdreg s7;
	s10 =	sshrl.u32 s9, $0x1;
	s14 =	sadd.s32 s1, s6  }
0x8: {  	s20 =	sshrl.u32 s18, $0x2;
	_ =	strace $0x80000047;
	s9 =	ssub.s32 s9, s10  }
0x9: {  	s10 =	sadd.s32 s20, s2;
	[dreg:$0x6] =	wrdreg s14;
	s21 =	smax.u32 s9, $0x1  }
0xa: {  	s25 =	smul.u32 $0x18700, s13;
	s22 =	sadd.s32 $0x4500, s10;
	[dreg:$0x8] =	wrdreg s21  }
0xb: {  	s8 =	smul.u32 $0xC4E00, s5;
	s23 =	sadd.s32 $0x5C00, s10;
	[dreg:$0x9] =	wrdreg s22  }
0xc: {  	s11 =	smul.u32 $0x30D40, s5;
	s24 =	sadd.s32 $0x7300, s10;
	[dreg:$0xa] =	wrdreg s23  }
0xd: {  	s12 =	smul.u32 $0x187000, s5;
	s26 =	sadd.s32 $0x8A00, s10;
	[dreg:$0xb] =	wrdreg s24  }
0xe: {  	s7 =	smul.u32 s13, s7;
	s28 =	sadd.s32 $0xA100, s10;
	[dreg:$0xc] =	wrdreg s26  }
0xf: {  	s6 =	sadd.s32 s0, s11;
	s30 =	sadd.s32 $0xB800, s10;
	[dreg:$0xd] =	wrdreg s28  }
0x10: {  	s7 =	smul.u32 $0x320, s7;
	s16 =	sadd.s32 $0xCF00, s10;
	[dreg:$0xe] =	wrdreg s30  }
0x11: {  	s11 =	sadd.s32 $0x1700, s10;
	s17 =	sadd.s32 $0xE600, s10;
	[dreg:$0xf] =	wrdreg s16  }
0x12: {  	s29 =	sadd.s32 $0x2E00, s10;
	s20 =	sadd.s32 $0xFD00, s10;
	[dreg:$0x10] =	wrdreg s17  }
0x13: {  	[dreg:$0x12] =	wrdreg s20;
	s23 =	sadd.s32 $0x11400, s10;
	s24 =	sadd.s32 $0x12B00, s10  }
0x14: {  	s26 =	sadd.s32 $0x14200, s10;
	s28 =	sadd.s32 $0x15900, s10;
	[dreg:$0x13] =	wrdreg s23  }
0x15: {  	s7 =	sadd.s32 s8, s7;
	s8 =	sadd.s32 $0x61A80, s0;
	[dreg:$0x14] =	wrdreg s24  }
0x16: {  	s0 =	sadd.s32 s25, s12;
	s25 =	sxor.u32 $0x3D, s5;
	[dreg:$0x15] =	wrdreg s26  }
0x17: {  	[dreg:$0x17] =	wrdreg s28;
	s5 =	simm.s32 $0x5;
	s24 =	simm.s32 $0x3  }
0x18: {  	s19 =	sshrl.u32 s7, $0x3;
	s13 =	sadd.s32 $0x960, s7;
	s7 =	sadd.s32 $0x640, s7  }
0x19: {  	s12 =	sshrl.u32 s0, $0x3;
	s0 =	sadd.s32 $0x30E000, s0;
	s15 =	sadd.s32 s1, s19  }
0x1a: {  	s9 =	sshrl.u32 s13, $0x3;
	s7 =	sshrl.u32 s7, $0x3;
	s21 =	sadd.s32 s12, s3  }
0x1b: {  	s0 =	sshrl.u32 s0, $0x3;
	s12 =	simm.s32 $0x4;
	s9 =	sadd.s32 s9, s1  }
0x1c: {  	s18 =	sadd.s32 s7, s1;
	s22 =	sadd.s32 s0, s3;
	s1 =	sadd.s32 $0x17000, s10  }
0x1d: {  	[dreg:$0x7] =	wrdreg s15;
	s30 =	sadd.s32 $0x64, s15;
	s3 =	sadd.s32 $0x64, s14  }
0x1e: {  	s7 =	simm.s32 $0x320;
	s19 =	ssub.s32 $0x64, s9;
	[dreg:$0x16] =	wrdreg s30  }
0x1f: {  	v0 =	vimm.f32 $0.0e+00;
	s0 =	simm.s32 $0x1;
	s9 =	simm.s32 $0xC80;
	[dreg:$0x11] =	wrdreg s19  }
.LBB2_1:
0x20: {  	s13 =	simm.s32 $0x40;
	s14 =	simm.s32 $0x0  }
.LBB2_2:
0x21: {  	p0 =	sne.s32 s13, $0x5BC0;
	[tilespmem:s14+$0xC80] =	vst v0;
	s14 =	smov.u32 s13;
	s13 =	sadd.s32 $0x40, s13  }
.Ltmp0:
0x22: {  	(pc) =	sbr.rel @p0 .LBB2_2-.Ltmp0, $2  }
0x23: {  	_ =	sdelay $0x2  }
0x24: {  	s14 =	sshra.s32 s14, $0x2  }
0x25: {  	[tilespmem:s14+$0xC80] =	vst v0  }
0x26: {  	[spmem:s10] =	stream.linear.scatter [tilespmem:s9], [sflag:$0x5], $0x1700, $0x38;
	[tilespmem:$0x1F780] =	vst v63  }
0x27: {  	_ =	swait.ge [sflag:s5], $0x1700  }
0x28: {  	[sflag:s5] =	ssyncset.done $0x0  }
0x29: {  	[sflag:s5] =	ssyncadd.s32 $0xFFFFE900  }
0x2a: {  	[spmem:s11] =	stream.linear.scatter [tilespmem:s9], [sflag:$0x5], $0x1700, $0x38;
	[tilespmem:$0x1F780] =	vst v63  }
0x2b: {  	_ =	swait.ge [sflag:s5], $0x1700  }
0x2c: {  	[sflag:s5] =	ssyncset.done $0x0  }
0x2d: {  	[sflag:s5] =	ssyncadd.s32 $0xFFFFE900  }
0x2e: {  	[spmem:s29] =	stream.linear.scatter [tilespmem:s9], [sflag:$0x5], $0x1700, $0x38;
	[tilespmem:$0x1F780] =	vst v63  }
0x2f: {  	_ =	swait.ge [sflag:s5], $0x1700  }
0x30: {  	[sflag:s5] =	ssyncset.done $0x0  }
0x31: {  	s13 =	rddreg [dreg:$0x9];
	[sflag:s5] =	ssyncadd.s32 $0xFFFFE900  }
0x32: {  	[spmem:s13] =	stream.linear.scatter [tilespmem:s9], [sflag:$0x5], $0x1700, $0x38;
	[tilespmem:$0x1F780] =	vst v63  }
0x33: {  	_ =	swait.ge [sflag:s5], $0x1700  }
0x34: {  	[sflag:s5] =	ssyncset.done $0x0  }
0x35: {  	s23 =	rddreg [dreg:$0xa];
	[sflag:s5] =	ssyncadd.s32 $0xFFFFE900  }
0x36: {  	[spmem:s23] =	stream.linear.scatter [tilespmem:s9], [sflag:$0x5], $0x1700, $0x38;
	[tilespmem:$0x1F780] =	vst v63  }
0x37: {  	_ =	swait.ge [sflag:s5], $0x1700  }
0x38: {  	[sflag:s5] =	ssyncset.done $0x0  }
0x39: {  	s26 =	rddreg [dreg:$0xb];
	[sflag:s5] =	ssyncadd.s32 $0xFFFFE900  }
0x3a: {  	[spmem:s26] =	stream.linear.scatter [tilespmem:s9], [sflag:$0x5], $0x1700, $0x38;
	[tilespmem:$0x1F780] =	vst v63  }
0x3b: {  	_ =	swait.ge [sflag:s5], $0x1700  }
0x3c: {  	[sflag:s5] =	ssyncset.done $0x0  }
0x3d: {  	s28 =	rddreg [dreg:$0xc];
	[sflag:s5] =	ssyncadd.s32 $0xFFFFE900  }
0x3e: {  	[spmem:s28] =	stream.linear.scatter [tilespmem:s9], [sflag:$0x5], $0x1700, $0x38;
	[tilespmem:$0x1F780] =	vst v63  }
0x3f: {  	_ =	swait.ge [sflag:s5], $0x1700  }
0x40: {  	[sflag:s5] =	ssyncset.done $0x0  }
0x41: {  	s30 =	rddreg [dreg:$0xd];
	[sflag:s5] =	ssyncadd.s32 $0xFFFFE900  }
0x42: {  	[spmem:s30] =	stream.linear.scatter [tilespmem:s9], [sflag:$0x5], $0x1700, $0x38;
	[tilespmem:$0x1F780] =	vst v63  }
0x43: {  	_ =	swait.ge [sflag:s5], $0x1700  }
0x44: {  	[sflag:s5] =	ssyncset.done $0x0  }
0x45: {  	s14 =	rddreg [dreg:$0xe];
	[sflag:s5] =	ssyncadd.s32 $0xFFFFE900  }
0x46: {  	[spmem:s14] =	stream.linear.scatter [tilespmem:s9], [sflag:$0x5], $0x1700, $0x38;
	[tilespmem:$0x1F780] =	vst v63  }
0x47: {  	_ =	swait.ge [sflag:s5], $0x1700  }
0x48: {  	[sflag:s5] =	ssyncset.done $0x0  }
0x49: {  	s15 =	rddreg [dreg:$0xf];
	[sflag:s5] =	ssyncadd.s32 $0xFFFFE900  }
0x4a: {  	[spmem:s15] =	stream.linear.scatter [tilespmem:s9], [sflag:$0x5], $0x1700, $0x38;
	[tilespmem:$0x1F780] =	vst v63  }
0x4b: {  	_ =	swait.ge [sflag:s5], $0x1700  }
0x4c: {  	[sflag:s5] =	ssyncset.done $0x0  }
0x4d: {  	s16 =	rddreg [dreg:$0x10];
	[sflag:s5] =	ssyncadd.s32 $0xFFFFE900  }
0x4e: {  	[spmem:s16] =	stream.linear.scatter [tilespmem:s9], [sflag:$0x5], $0x1700, $0x38;
	[tilespmem:$0x1F780] =	vst v63  }
0x4f: {  	_ =	swait.ge [sflag:s5], $0x1700  }
0x50: {  	[sflag:s5] =	ssyncset.done $0x0  }
0x51: {  	s17 =	rddreg [dreg:$0x12];
	[sflag:s5] =	ssyncadd.s32 $0xFFFFE900  }
0x52: {  	[spmem:s17] =	stream.linear.scatter [tilespmem:s9], [sflag:$0x5], $0x1700, $0x38;
	[tilespmem:$0x1F780] =	vst v63  }
0x53: {  	_ =	swait.ge [sflag:s5], $0x1700  }
0x54: {  	[sflag:s5] =	ssyncset.done $0x0  }
0x55: {  	s19 =	rddreg [dreg:$0x13];
	[sflag:s5] =	ssyncadd.s32 $0xFFFFE900  }
0x56: {  	[spmem:s19] =	stream.linear.scatter [tilespmem:s9], [sflag:$0x5], $0x1700, $0x38;
	[tilespmem:$0x1F780] =	vst v63  }
0x57: {  	_ =	swait.ge [sflag:s5], $0x1700  }
0x58: {  	[sflag:s5] =	ssyncset.done $0x0  }
0x59: {  	s20 =	rddreg [dreg:$0x14];
	[sflag:s5] =	ssyncadd.s32 $0xFFFFE900  }
0x5a: {  	[spmem:s20] =	stream.linear.scatter [tilespmem:s9], [sflag:$0x5], $0x1700, $0x38;
	[tilespmem:$0x1F780] =	vst v63  }
0x5b: {  	_ =	swait.ge [sflag:s5], $0x1700  }
0x5c: {  	[sflag:s5] =	ssyncset.done $0x0  }
0x5d: {  	s23 =	rddreg [dreg:$0x15];
	[sflag:s5] =	ssyncadd.s32 $0xFFFFE900  }
0x5e: {  	[spmem:s23] =	stream.linear.scatter [tilespmem:s9], [sflag:$0x5], $0x1700, $0x38;
	[tilespmem:$0x1F780] =	vst v63  }
0x5f: {  	_ =	swait.ge [sflag:s5], $0x1700  }
0x60: {  	[sflag:s5] =	ssyncset.done $0x0  }
0x61: {  	s26 =	rddreg [dreg:$0x17];
	[sflag:s5] =	ssyncadd.s32 $0xFFFFE900  }
0x62: {  	[spmem:s26] =	stream.linear.scatter [tilespmem:s9], [sflag:$0x5], $0x1700, $0x38;
	[tilespmem:$0x1F780] =	vst v63  }
0x63: {  	_ =	swait.ge [sflag:s5], $0x1700  }
0x64: {  	[sflag:s5] =	ssyncset.done $0x0  }
0x65: {  	s28 =	simm.s32 $0x0;
	[sflag:s5] =	ssyncadd.s32 $0xFFFFE900  }
0x66: {  	[spmem:s1] =	stream.linear.scatter [tilespmem:s9], [sflag:$0x5], $0x1700, $0x38;
	[tilespmem:$0x1F780] =	vst v63  }
0x67: {  	s13 =	sand.u32 $0x1, s28;
	_ =	swait.ge [sflag:s5], $0x1700  }
0x68: {  	p0 =	seq.s32 s13, $0x1;
	[sflag:s5] =	ssyncset.done $0x0  }
0x69: {  	p1 =	por @!p0 $0x1, $0x1;
	[sflag:s5] =	ssyncadd.s32 $0xFFFFE900  }
0x6a: {  	p2 =	por p1, p0;
	[bflag:$0x0] =	sbarrier.arrive $0xFFFF  }
0x6b: {  	p2 =	por @!p2 $0x0, $0x0;
	s30 =	rddreg [dreg:$0x6]  }
0x6c: {  	[tilespmem:s28], [sflag:$0x5] =	stream.strided.gather [hbm4b:s30+s7], $0x640, s31, s7, $0x38;
	[tilespmem:$0x1F780] =	vst v63  }
0x6d: {  	p1 =	por @!p0 p2, p1;
	_ =	swait.ge [sflag:s5], $0x640  }
0x6e: {  	p1 =	por p1, p0;
	[sflag:s5] =	ssyncset.done $0x0  }
0x6f: {  	s14 =	simm.s32 @!p1 $0x4;
	[sflag:s5] =	ssyncadd.s32 $0xFFFFF9C0  }
0x70: {  	[tilespmem:s9], [sflag:$0x1] =	stream.indirect.gather [hbm4b:s6+s7], $0x10, s28, s7, $0xb8;
	[tilespmem:$0x1F780] =	vst v63  }
0x71: {  	_ =	swait.ge @!p1 [sflag:s14], $0x3200  }
0x72: {  	p2 =	seq.s32 s13, $0x0;
	[sflag:s14] =	ssyncset.done @!p1 $0x0  }
0x73: {  	[sflag:s14] =	ssyncadd.s32 @!p1 $0xFFFFCE00;
	s14 =	simm.s32 @!p2 $0x3  }
0x74: {  	p0 =	por p0, p0;
	p1 =	sne.s32 s13, $0x0;
	_ =	swait.ge @!p2 [sflag:s14], $0x3200  }
0x75: {  	s13 =	simm.s32 @!p1 $0x186A00;
	s19 =	simm.s32 @!p1 $0x5;
	[sflag:s14] =	ssyncset.done @!p2 $0x0  }
0x76: {  	s17 =	simm.s32 @!p1 $0x320;
	s23 =	simm.s32 @!p1 $0x640;
	[sflag:s14] =	ssyncadd.s32 @!p2 $0xFFFFCE00  }
0x77: {  	[tilespmem:s23], [sflag:$0x5] =	stream.strided.gather @!p1 [hbm4b:s3+s17], $0x640, s13, s17, $0x38;
	[tilespmem:$0x1F780] =	vst v63  }
0x78: {  	s20 =	simm.s32 @p0 $0x0;
	_ =	swait.ge @!p1 [sflag:s19], $0x640  }
0x79: {  	s26 =	simm.s32 @p0 $0x5;
	s14 =	simm.s32 $0x1;
	[sflag:s19] =	ssyncset.done @!p1 $0x0  }
0x7a: {  	s13 =	simm.s32 @!p1 $0x3E80;
	s16 =	sand.u32 $0x1, s14;
	[sflag:s19] =	ssyncadd.s32 @!p1 $0xFFFFF9C0  }
0x7b: {  	[tilespmem:s13], [sflag:$0x2] =	stream.indirect.gather @!p1 [hbm4b:s6+s17], $0x10, s23, s17, $0xb8;
	[tilespmem:$0x1F780] =	vst v63  }
0x7c: {  	p2 =	seq.s32 s16, $0x1;
	s19 =	simm.s32 @p0 $0x320;
	s13 =	simm.s32 @p0 $0x186A00  }
0x7d: {  	[tilespmem:s20], [sflag:$0x5] =	stream.strided.gather @p0 [hbm4b:s3+s19], $0x640, s13, s19, $0x38;
	[tilespmem:$0x1F780] =	vst v63  }
0x7e: {  	s15 =	simm.s32 $0x2;
	p4 =	por @!p2 $0x0, $0x0;
	_ =	swait.ge @p0 [sflag:s26], $0x640  }
0x7f: {  	p5 =	por p4, p2;
	s23 =	simm.s32 @!p1 $0x1;
	[sflag:s26] =	ssyncset.done @p0 $0x0  }
0x80: {  	s13 =	sadd.s32 $0x64, s3;
	[sflag:s26] =	ssyncadd.s32 @p0 $0xFFFFF9C0;
	s26 =	simm.s32 @p0 $0xC80  }
.LBB2_4:
0x81: {  	[tilespmem:s26], [sflag:$0x1] =	stream.indirect.gather @p0 [hbm4b:s6+s19], $0x10, s20, s19, $0xb8;
	[tilespmem:$0x1F780] =	vst v63  }
0x82: {  	s20 =	smov.u32 s15;
	s15 =	sadd.s32 $0x1, s15;
	_ =	swait.ge @!p1 [sflag:s23], $0x3200  }
0x83: {  	s26 =	simm.s32 @!p1 $0xC80;
	p3 =	sne.s32 s15, $0x7C;
	[sflag:s23] =	ssyncset.done @!p1 $0x0  }
0x84: {  	[sflag:s23] =	ssyncadd.s32 @!p1 $0xFFFFCE00;
	s23 =	simm.s32 @p0 $0x2  }
0x85: {  	[spmem:s2] =	stream.indirect.scatter.add.f32 @!p1 [tilespmem:s26], [sflag:$0x3], $0x10, s17, s17, $0xb8;
	[tilespmem:$0x1F780] =	vst v63  }
0x86: {  	p1 =	seq.s32 @!p5 s14, $0x7C;
	s14 =	smov.u32 s20;
	_ =	swait.ge @p0 [sflag:s23], $0x3200  }
0x87: {  	s17 =	simm.s32 @p0 $0x3E80;
	p1 =	por @!p2 p1, p4;
	[sflag:s23] =	ssyncset.done @p0 $0x0  }
0x88: {  	s20 =	simm.s32 @p0 $0x960;
	p1 =	por p1, p2;
	[sflag:s23] =	ssyncadd.s32 @p0 $0xFFFFCE00  }
0x89: {  	[spmem:s2] =	stream.indirect.scatter.add.f32 @p0 [tilespmem:s17], [sflag:$0x4], $0x10, s20, s19, $0xb8;
	[tilespmem:$0x1F780] =	vst v63  }
0x8a: {  	s17 =	simm.s32 @!p1 $0x4;
	p0 =	por p2, p2  }
0x8b: {  	_ =	swait.ge @!p1 [sflag:s17], $0x3200  }
0x8c: {  	p2 =	seq.s32 s16, $0x0;
	[sflag:s17] =	ssyncset.done @!p1 $0x0  }
0x8d: {  	s19 =	simm.s32 @!p2 $0x3;
	[sflag:s17] =	ssyncadd.s32 @!p1 $0xFFFFCE00;
	p1 =	sne.s32 s16, $0x0  }
0x8e: {  	_ =	swait.ge @!p2 [sflag:s19], $0x3200;
	s16 =	simm.s32 @!p1 $0x186A00;
	s23 =	simm.s32 @!p1 $0x5  }
0x8f: {  	s17 =	simm.s32 @!p1 $0x320;
	s26 =	simm.s32 @!p1 $0x640;
	[sflag:s19] =	ssyncset.done @!p2 $0x0  }
0x90: {  	[sflag:s19] =	ssyncadd.s32 @!p2 $0xFFFFCE00  }
0x91: {  	[tilespmem:s26], [sflag:$0x5] =	stream.strided.gather @!p1 [hbm4b:s13+s17], $0x640, s16, s17, $0x38;
	[tilespmem:$0x1F780] =	vst v63  }
0x92: {  	s20 =	simm.s32 @p0 $0x0;
	s19 =	simm.s32 @!p1 $0x3E80;
	_ =	swait.ge @!p1 [sflag:s23], $0x640  }
0x93: {  	s16 =	sand.u32 $0x1, s14;
	[sflag:s23] =	ssyncset.done @!p1 $0x0  }
0x94: {  	s28 =	simm.s32 @p0 $0x5;
	p2 =	seq.s32 s16, $0x1;
	[sflag:s23] =	ssyncadd.s32 @!p1 $0xFFFFF9C0  }
0x95: {  	[tilespmem:s19], [sflag:$0x2] =	stream.indirect.gather @!p1 [hbm4b:s6+s17], $0x10, s26, s17, $0xb8;
	[tilespmem:$0x1F780] =	vst v63  }
.Ltmp1:
0x96: {  	s23 =	simm.s32 @p0 $0x186A00;
	s19 =	simm.s32 @p0 $0x320;
	(pc) =	sbr.rel @p3 .LBB2_4-.Ltmp1, $4  }
0x97: {  	[tilespmem:s20], [sflag:$0x5] =	stream.strided.gather @p0 [hbm4b:s13+s19], $0x640, s23, s19, $0x38;
	[tilespmem:$0x1F780] =	vst v63  }
0x98: {  	s23 =	simm.s32 @!p1 $0x1;
	_ =	swait.ge @p0 [sflag:s28], $0x640  }
0x99: {  	p4 =	seq.s32 @!p2 s14, $0x0;
	s13 =	sadd.s32 $0x64, s13;
	[sflag:s28] =	ssyncset.done @p0 $0x0  }
0x9a: {  	p5 =	por p4, p2;
	s26 =	simm.s32 @p0 $0xC80;
	[sflag:s28] =	ssyncadd.s32 @p0 $0xFFFFF9C0  }
0x9b: {  	[tilespmem:s26], [sflag:$0x1] =	stream.indirect.gather @p0 [hbm4b:s6+s19], $0x10, s20, s19, $0xb8;
	[tilespmem:$0x1F780] =	vst v63  }
0x9c: {  	_ =	swait.ge @!p1 [sflag:s23], $0x3200  }
0x9d: {  	[sflag:s23] =	ssyncset.done @!p1 $0x0  }
0x9e: {  	s15 =	simm.s32 @!p1 $0xC80;
	s20 =	simm.s32 @p0 $0x2;
	[sflag:s23] =	ssyncadd.s32 @!p1 $0xFFFFCE00  }
0x9f: {  	[spmem:s2] =	stream.indirect.scatter.add.f32 @!p1 [tilespmem:s15], [sflag:$0x3], $0x10, s17, s17, $0xb8;
	[tilespmem:$0x1F780] =	vst v63  }
0xa0: {  	p1 =	seq.s32 @!p5 s14, $0x7C;
	_ =	swait.ge @p0 [sflag:s20], $0x3200  }
0xa1: {  	s14 =	simm.s32 @p0 $0x3E80;
	p1 =	por @!p2 p1, p4;
	[sflag:s20] =	ssyncset.done @p0 $0x0  }
0xa2: {  	s15 =	simm.s32 @p0 $0x960;
	p1 =	por p1, p2;
	[sflag:s20] =	ssyncadd.s32 @p0 $0xFFFFCE00  }
0xa3: {  	[spmem:s2] =	stream.indirect.scatter.add.f32 @p0 [tilespmem:s14], [sflag:$0x4], $0x10, s15, s19, $0xb8;
	[tilespmem:$0x1F780] =	vst v63  }
0xa4: {  	s14 =	simm.s32 @!p1 $0x4  }
0xa5: {  	_ =	swait.ge @!p1 [sflag:s14], $0x3200  }
0xa6: {  	p3 =	seq.s32 s16, $0x0;
	[sflag:s14] =	ssyncset.done @!p1 $0x0  }
0xa7: {  	[sflag:s14] =	ssyncadd.s32 @!p1 $0xFFFFCE00;
	s14 =	simm.s32 @!p3 $0x3  }
0xa8: {  	p0 =	sne.s32 s16, $0x0;
	_ =	swait.ge @!p3 [sflag:s14], $0x3200  }
0xa9: {  	s15 =	simm.s32 @!p0 $0x186A00;
	s16 =	simm.s32 @!p0 $0x5;
	[sflag:s14] =	ssyncset.done @!p3 $0x0  }
0xaa: {  	s17 =	simm.s32 @!p0 $0x320;
	s19 =	simm.s32 @!p0 $0x640;
	[sflag:s14] =	ssyncadd.s32 @!p3 $0xFFFFCE00  }
0xab: {  	[tilespmem:s19], [sflag:$0x5] =	stream.strided.gather @!p0 [hbm4b:s13+s17], $0x640, s15, s17, $0x38;
	[tilespmem:$0x1F780] =	vst v63  }
0xac: {  	_ =	swait.ge @!p0 [sflag:s16], $0x640  }
0xad: {  	p1 =	por p2, p2;
	[sflag:s16] =	ssyncset.done @!p0 $0x0  }
0xae: {  	s14 =	simm.s32 @!p0 $0x3E80;
	s15 =	simm.s32 @p1 $0x0;
	[sflag:s16] =	ssyncadd.s32 @!p0 $0xFFFFF9C0  }
0xaf: {  	[tilespmem:s14], [sflag:$0x2] =	stream.indirect.gather @!p0 [hbm4b:s6+s17], $0x10, s19, s17, $0xb8;
	[tilespmem:$0x1F780] =	vst v63  }
0xb0: {  	s16 =	simm.s32 @p1 $0x320;
	s14 =	simm.s32 @p1 $0x5;
	s19 =	simm.s32 @p1 $0x186A00  }
0xb1: {  	[tilespmem:s15], [sflag:$0x5] =	stream.strided.gather @p1 [hbm4b:s13+s16], $0x640, s19, s16, $0x38;
	[tilespmem:$0x1F780] =	vst v63  }
0xb2: {  	_ =	swait.ge @p1 [sflag:s14], $0x640  }
0xb3: {  	[sflag:s14] =	ssyncset.done @p1 $0x0  }
0xb4: {  	s13 =	simm.s32 @!p0 $0x1;
	[sflag:s14] =	ssyncadd.s32 @p1 $0xFFFFF9C0;
	s14 =	simm.s32 @p1 $0xC80  }
0xb5: {  	[tilespmem:s14], [sflag:$0x1] =	stream.indirect.gather @p1 [hbm4b:s6+s16], $0x10, s15, s16, $0xb8;
	[tilespmem:$0x1F780] =	vst v63  }
0xb6: {  	_ =	swait.ge @!p0 [sflag:s13], $0x3200  }
0xb7: {  	[sflag:s13] =	ssyncset.done @!p0 $0x0  }
0xb8: {  	s14 =	simm.s32 @!p0 $0xC80;
	[sflag:s13] =	ssyncadd.s32 @!p0 $0xFFFFCE00;
	s13 =	simm.s32 @p1 $0x2  }
0xb9: {  	[spmem:s2] =	stream.indirect.scatter.add.f32 @!p0 [tilespmem:s14], [sflag:$0x3], $0x10, s17, s17, $0xb8;
	[tilespmem:$0x1F780] =	vst v63  }
0xba: {  	_ =	swait.ge @p1 [sflag:s13], $0x3200  }
0xbb: {  	[sflag:s13] =	ssyncset.done @p1 $0x0  }
0xbc: {  	s14 =	simm.s32 @p1 $0x3E80;
	[sflag:s13] =	ssyncadd.s32 @p1 $0xFFFFCE00;
	s13 =	simm.s32 @p1 $0x960  }
0xbd: {  	[spmem:s2] =	stream.indirect.scatter.add.f32 @p1 [tilespmem:s14], [sflag:$0x4], $0x10, s13, s16, $0xb8;
	[tilespmem:$0x1F780] =	vst v63  }
0xbe: {  	_ =	swait.ge [sflag:s0], $0x3200  }
0xbf: {  	[sflag:s0] =	ssyncset.done $0x0  }
0xc0: {  	[sflag:s0] =	ssyncadd.s32 $0xFFFFCE00  }
0xc1: {  	[spmem:s2] =	stream.indirect.scatter.add.f32 [tilespmem:s9], [sflag:$0x3], $0x10, s7, s7, $0xb8;
	[tilespmem:$0x1F780] =	vst v63  }
0xc2: {  	_ =	swait.ge [sflag:s24], $0x3200  }
0xc3: {  	[sflag:s24] =	ssyncset.done $0x0  }
0xc4: {  	[sflag:s24] =	ssyncadd.s32 $0xFFFFCE00  }
0xc5: {  	_ =	swait.ge [sflag:s12], $0x3200  }
0xc6: {  	s30 =	stileid.u32;
	[sflag:s12] =	ssyncset.done $0x0  }
0xc7: {  	s31 =	sadd.s32 $0x0, s21;
	s13 =	sshll.u32 s30, $0x6;
	[sflag:s12] =	ssyncadd.s32 $0xFFFFCE00  }
0xc8: {  	s14 =	sshrl.u32 s10, $0x3;
	s13 =	sor.u32 $0x1C05, s13;
	[bflag:$0x0] =	sbarrier.arrive $0xFFFF  }
0xc9: {  	[hbm:s31], [sflag:s13] =	dma.local [spmem:s14], $0x2E0  }
0xca: {  	s15 =	simm.s32 $0x2E0;
	s16 =	smov.u32 s11;
	_ =	swait.ge [sflag:s5], $0x2E0  }
.LBB2_6:
0xcb: {  	s17 =	sadd.s32 s15, s21;
	[sflag:s5] =	ssyncset.done $0x0;
	p0 =	sne.s32 s15, $0x2E00  }
.Ltmp2:
0xcc: {  	s19 =	sshrl.u32 s16, $0x3;
	[sflag:s5] =	ssyncadd.s32 $0xFFFFFD20;
	(pc) =	sbr.rel @p0 .LBB2_6-.Ltmp2, $3  }
0xcd: {  	[hbm:s17], [sflag:s13] =	dma.local [spmem:s19], $0x2E0  }
0xce: {  	s15 =	sadd.s32 $0x2E0, s15;
	_ =	sdelay $0x1  }
0xcf: {  	s16 =	sadd.s32 $0x1700, s16;
	_ =	swait.ge [sflag:s5], $0x2E0  }
0xd0: {  	[sflag:s5] =	ssyncset.done $0x0  }
0xd1: {  	s15 =	simm.s32 $0x40;
	s16 =	simm.s32 $0x0;
	[sflag:s5] =	ssyncadd.s32 $0xFFFFFD20  }
.LBB2_8:
0xd2: {  	p0 =	sne.s32 s15, $0x5BC0;
	[tilespmem:s16+$0xC80] =	vst v0;
	s16 =	smov.u32 s15;
	s15 =	sadd.s32 $0x40, s15  }
.Ltmp3:
0xd3: {  	(pc) =	sbr.rel @p0 .LBB2_8-.Ltmp3, $2  }
0xd4: {  	_ =	sdelay $0x2  }
0xd5: {  	s16 =	sshra.s32 s16, $0x2  }
0xd6: {  	[tilespmem:s16+$0xC80] =	vst v0  }
0xd7: {  	[spmem:s10] =	stream.linear.scatter [tilespmem:s9], [sflag:$0x5], $0x1700, $0x38;
	[tilespmem:$0x1F780] =	vst v63  }
0xd8: {  	_ =	swait.ge [sflag:s5], $0x1700  }
0xd9: {  	[sflag:s5] =	ssyncset.done $0x0  }
0xda: {  	[sflag:s5] =	ssyncadd.s32 $0xFFFFE900  }
0xdb: {  	[spmem:s11] =	stream.linear.scatter [tilespmem:s9], [sflag:$0x5], $0x1700, $0x38;
	[tilespmem:$0x1F780] =	vst v63  }
0xdc: {  	_ =	swait.ge [sflag:s5], $0x1700  }
0xdd: {  	[sflag:s5] =	ssyncset.done $0x0  }
0xde: {  	[sflag:s5] =	ssyncadd.s32 $0xFFFFE900  }
0xdf: {  	[spmem:s29] =	stream.linear.scatter [tilespmem:s9], [sflag:$0x5], $0x1700, $0x38;
	[tilespmem:$0x1F780] =	vst v63  }
0xe0: {  	_ =	swait.ge [sflag:s5], $0x1700  }
0xe1: {  	[sflag:s5] =	ssyncset.done $0x0  }
0xe2: {  	s15 =	rddreg [dreg:$0x9];
	[sflag:s5] =	ssyncadd.s32 $0xFFFFE900  }
0xe3: {  	[spmem:s15] =	stream.linear.scatter [tilespmem:s9], [sflag:$0x5], $0x1700, $0x38;
	[tilespmem:$0x1F780] =	vst v63  }
0xe4: {  	_ =	swait.ge [sflag:s5], $0x1700  }
0xe5: {  	[sflag:s5] =	ssyncset.done $0x0  }
0xe6: {  	s17 =	rddreg [dreg:$0xa];
	[sflag:s5] =	ssyncadd.s32 $0xFFFFE900  }
0xe7: {  	[spmem:s17] =	stream.linear.scatter [tilespmem:s9], [sflag:$0x5], $0x1700, $0x38;
	[tilespmem:$0x1F780] =	vst v63  }
0xe8: {  	_ =	swait.ge [sflag:s5], $0x1700  }
0xe9: {  	[sflag:s5] =	ssyncset.done $0x0  }
0xea: {  	s19 =	rddreg [dreg:$0xb];
	[sflag:s5] =	ssyncadd.s32 $0xFFFFE900  }
0xeb: {  	[spmem:s19] =	stream.linear.scatter [tilespmem:s9], [sflag:$0x5], $0x1700, $0x38;
	[tilespmem:$0x1F780] =	vst v63  }
0xec: {  	_ =	swait.ge [sflag:s5], $0x1700  }
0xed: {  	[sflag:s5] =	ssyncset.done $0x0  }
0xee: {  	s20 =	rddreg [dreg:$0xc];
	[sflag:s5] =	ssyncadd.s32 $0xFFFFE900  }
0xef: {  	[spmem:s20] =	stream.linear.scatter [tilespmem:s9], [sflag:$0x5], $0x1700, $0x38;
	[tilespmem:$0x1F780] =	vst v63  }
0xf0: {  	_ =	swait.ge [sflag:s5], $0x1700  }
0xf1: {  	[sflag:s5] =	ssyncset.done $0x0  }
0xf2: {  	s23 =	rddreg [dreg:$0xd];
	[sflag:s5] =	ssyncadd.s32 $0xFFFFE900  }
0xf3: {  	[spmem:s23] =	stream.linear.scatter [tilespmem:s9], [sflag:$0x5], $0x1700, $0x38;
	[tilespmem:$0x1F780] =	vst v63  }
0xf4: {  	_ =	swait.ge [sflag:s5], $0x1700  }
0xf5: {  	[sflag:s5] =	ssyncset.done $0x0  }
0xf6: {  	s26 =	rddreg [dreg:$0xe];
	[sflag:s5] =	ssyncadd.s32 $0xFFFFE900  }
0xf7: {  	[spmem:s26] =	stream.linear.scatter [tilespmem:s9], [sflag:$0x5], $0x1700, $0x38;
	[tilespmem:$0x1F780] =	vst v63  }
0xf8: {  	_ =	swait.ge [sflag:s5], $0x1700  }
0xf9: {  	[sflag:s5] =	ssyncset.done $0x0  }
0xfa: {  	s30 =	smov.u32 s29;
	s29 =	rddreg [dreg:$0xf];
	[sflag:s5] =	ssyncadd.s32 $0xFFFFE900  }
0xfb: {  	[spmem:s29] =	stream.linear.scatter [tilespmem:s9], [sflag:$0x5], $0x1700, $0x38;
	[tilespmem:$0x1F780] =	vst v63  }
0xfc: {  	_ =	swait.ge [sflag:s5], $0x1700  }
0xfd: {  	[sflag:s5] =	ssyncset.done $0x0  }
0xfe: {  	s16 =	rddreg [dreg:$0x10];
	[sflag:s5] =	ssyncadd.s32 $0xFFFFE900  }
0xff: {  	[spmem:s16] =	stream.linear.scatter [tilespmem:s9], [sflag:$0x5], $0x1700, $0x38;
	[tilespmem:$0x1F780] =	vst v63  }
0x100: {  	_ =	swait.ge [sflag:s5], $0x1700  }
0x101: {  	[sflag:s5] =	ssyncset.done $0x0  }
0x102: {  	s17 =	rddreg [dreg:$0x12];
	[sflag:s5] =	ssyncadd.s32 $0xFFFFE900  }
0x103: {  	[spmem:s17] =	stream.linear.scatter [tilespmem:s9], [sflag:$0x5], $0x1700, $0x38;
	[tilespmem:$0x1F780] =	vst v63  }
0x104: {  	_ =	swait.ge [sflag:s5], $0x1700  }
0x105: {  	[sflag:s5] =	ssyncset.done $0x0  }
0x106: {  	s19 =	rddreg [dreg:$0x13];
	[sflag:s5] =	ssyncadd.s32 $0xFFFFE900  }
0x107: {  	[spmem:s19] =	stream.linear.scatter [tilespmem:s9], [sflag:$0x5], $0x1700, $0x38;
	[tilespmem:$0x1F780] =	vst v63  }
0x108: {  	_ =	swait.ge [sflag:s5], $0x1700  }
0x109: {  	[sflag:s5] =	ssyncset.done $0x0  }
0x10a: {  	s20 =	rddreg [dreg:$0x14];
	[sflag:s5] =	ssyncadd.s32 $0xFFFFE900  }
0x10b: {  	[spmem:s20] =	stream.linear.scatter [tilespmem:s9], [sflag:$0x5], $0x1700, $0x38;
	[tilespmem:$0x1F780] =	vst v63  }
0x10c: {  	_ =	swait.ge [sflag:s5], $0x1700  }
0x10d: {  	[sflag:s5] =	ssyncset.done $0x0  }
0x10e: {  	s23 =	rddreg [dreg:$0x15];
	[sflag:s5] =	ssyncadd.s32 $0xFFFFE900  }
0x10f: {  	[spmem:s23] =	stream.linear.scatter [tilespmem:s9], [sflag:$0x5], $0x1700, $0x38;
	[tilespmem:$0x1F780] =	vst v63  }
0x110: {  	_ =	swait.ge [sflag:s5], $0x1700  }
0x111: {  	[sflag:s5] =	ssyncset.done $0x0  }
0x112: {  	s26 =	rddreg [dreg:$0x17];
	[sflag:s5] =	ssyncadd.s32 $0xFFFFE900  }
0x113: {  	[spmem:s26] =	stream.linear.scatter [tilespmem:s9], [sflag:$0x5], $0x1700, $0x38;
	[tilespmem:$0x1F780] =	vst v63  }
0x114: {  	_ =	swait.ge [sflag:s5], $0x1700  }
0x115: {  	[sflag:s5] =	ssyncset.done $0x0  }
0x116: {  	[sflag:s5] =	ssyncadd.s32 $0xFFFFE900  }
0x117: {  	[spmem:s1] =	stream.linear.scatter [tilespmem:s9], [sflag:$0x5], $0x1700, $0x38;
	[tilespmem:$0x1F780] =	vst v63  }
0x118: {  	_ =	swait.ge [sflag:s5], $0x1700  }
0x119: {  	[sflag:s5] =	ssyncset.done $0x0  }
0x11a: {  	[sflag:s5] =	ssyncadd.s32 $0xFFFFE900  }
0x11b: {  	[bflag:$0x0] =	sbarrier.arrive $0xFFFF  }
0x11c: {  	s29 =	simm.s32 $0x0;
	s17 =	simm.s32 $0x186A00;
	s19 =	rddreg [dreg:$0x7]  }
0x11d: {  	[tilespmem:s29], [sflag:$0x5] =	stream.strided.gather [hbm4b:s19+s7], $0x640, s17, s7, $0x38;
	[tilespmem:$0x1F780] =	vst v63  }
0x11e: {  	_ =	swait.ge [sflag:s5], $0x640  }
0x11f: {  	[sflag:s5] =	ssyncset.done $0x0  }
0x120: {  	[sflag:s5] =	ssyncadd.s32 $0xFFFFF9C0  }
0x121: {  	[tilespmem:s9], [sflag:$0x1] =	stream.indirect.gather [hbm4b:s8+s7], $0x10, s29, s7, $0xb8;
	[tilespmem:$0x1F780] =	vst v63  }
0x122: {  	s23 =	simm.s32 $0x640;
	s20 =	rddreg [dreg:$0x16]  }
0x123: {  	[tilespmem:s23], [sflag:$0x5] =	stream.strided.gather [hbm4b:s20+s7], $0x640, s17, s7, $0x38;
	[tilespmem:$0x1F780] =	vst v63  }
0x124: {  	_ =	swait.ge [sflag:s5], $0x640  }
0x125: {  	[sflag:s5] =	ssyncset.done $0x0  }
0x126: {  	s15 =	simm.s32 $0x1;
	s26 =	simm.s32 $0x3E80;
	[sflag:s5] =	ssyncadd.s32 $0xFFFFF9C0  }
0x127: {  	[tilespmem:s26], [sflag:$0x2] =	stream.indirect.gather [hbm4b:s8+s7], $0x10, s23, s7, $0xb8;
	[tilespmem:$0x1F780] =	vst v63  }
0x128: {  	s29 =	sand.u32 $0x1, s15;
	_ =	swait.ge [sflag:s0], $0x3200  }
0x129: {  	p0 =	seq.s32 s29, $0x1;
	[sflag:s0] =	ssyncset.done $0x0  }
0x12a: {  	s17 =	simm.s32 @!p0 $0x4;
	[sflag:s0] =	ssyncadd.s32 $0xFFFFCE00  }
0x12b: {  	[spmem:s2] =	stream.indirect.scatter.add.f32 [tilespmem:s9], [sflag:$0x3], $0x10, s7, s7, $0xb8;
	[tilespmem:$0x1F780] =	vst v63  }
0x12c: {  	p1 =	por p0, p0;
	_ =	swait.ge @!p0 [sflag:s17], $0x3200  }
0x12d: {  	p3 =	seq.s32 s29, $0x0;
	[sflag:s17] =	ssyncset.done @!p1 $0x0  }
0x12e: {  	[sflag:s17] =	ssyncadd.s32 @!p1 $0xFFFFCE00;
	s17 =	simm.s32 @!p3 $0x3  }
0x12f: {  	p2 =	sne.s32 s29, $0x0;
	_ =	swait.ge @!p3 [sflag:s17], $0x3200  }
0x130: {  	s20 =	simm.s32 @!p2 $0x320;
	s16 =	simm.s32 @!p2 $0x186A00;
	[sflag:s17] =	ssyncset.done @!p3 $0x0  }
0x131: {  	s19 =	simm.s32 @!p2 $0x5;
	[sflag:s17] =	ssyncadd.s32 @!p3 $0xFFFFCE00;
	s17 =	simm.s32 @!p2 $0x640  }
0x132: {  	[tilespmem:s17], [sflag:$0x5] =	stream.strided.gather @!p2 [hbm4b:s18+s20], $0x640, s16, s20, $0x38;
	[tilespmem:$0x1F780] =	vst v63  }
0x133: {  	_ =	swait.ge @!p2 [sflag:s19], $0x640  }
0x134: {  	[sflag:s19] =	ssyncset.done @!p2 $0x0  }
0x135: {  	s26 =	simm.s32 @p1 $0x0;
	s16 =	simm.s32 @!p2 $0x3E80;
	[sflag:s19] =	ssyncadd.s32 @!p2 $0xFFFFF9C0  }
0x136: {  	[tilespmem:s16], [sflag:$0x2] =	stream.indirect.gather @!p2 [hbm4b:s8+s20], $0x10, s17, s20, $0xb8;
	[tilespmem:$0x1F780] =	vst v63  }
0x137: {  	s19 =	simm.s32 @p1 $0x5;
	s16 =	simm.s32 @p1 $0x320;
	s17 =	simm.s32 @p1 $0x186A00  }
0x138: {  	[tilespmem:s26], [sflag:$0x5] =	stream.strided.gather @p1 [hbm4b:s18+s16], $0x640, s17, s16, $0x38;
	[tilespmem:$0x1F780] =	vst v63  }
0x139: {  	p3 =	sne.s32 s25, $0x1;
	_ =	swait.ge @p1 [sflag:s19], $0x640  }
.Ltmp4:
0x13a: {  	[sflag:s19] =	ssyncset.done @p1 $0x0;
	(pc) =	sbr.rel @!p3 .LBB2_11-.Ltmp4, $4  }
0x13b: {  	s28 =	simm.s32 @!p2 $0x1;
	s23 =	simm.s32 @p1 $0xC80;
	[sflag:s19] =	ssyncadd.s32 @p1 $0xFFFFF9C0  }
0x13c: {  	[tilespmem:s23], [sflag:$0x1] =	stream.indirect.gather @p1 [hbm4b:s8+s16], $0x10, s26, s16, $0xb8;
	[tilespmem:$0x1F780] =	vst v63  }
0x13d: {  	s31 =	simm.s32 $0x186A00;
	s19 =	smov.u32 s18;
	_ =	swait.ge @!p2 [sflag:s28], $0x3200  }
0x13e: {  	s26 =	simm.s32 @!p2 $0xC80;
	[sflag:s28] =	ssyncset.done @!p2 $0x0;
	s17 =	rddreg [dreg:$0x11]  }
.LBB2_10:
0x13f: {  	s15 =	sadd.s32 $0x1, s15;
	[sflag:s28] =	ssyncadd.s32 @!p2 $0xFFFFCE00;
	s23 =	simm.s32 @p1 $0x2  }
0x140: {  	[spmem:s2] =	stream.indirect.scatter.add.f32 @!p2 [tilespmem:s26], [sflag:$0x3], $0x10, s20, s20, $0xb8;
	[tilespmem:$0x1F780] =	vst v63  }
0x141: {  	s20 =	sand.u32 $0x1, s15;
	p3 =	sne.s32 s25, s15;
	_ =	swait.ge @p1 [sflag:s23], $0x3200  }
0x142: {  	s26 =	simm.s32 @p1 $0x3E80;
	p0 =	seq.s32 s20, $0x1;
	[sflag:s23] =	ssyncset.done @p1 $0x0  }
0x143: {  	s28 =	simm.s32 @!p0 $0x4;
	[sflag:s23] =	ssyncadd.s32 @p1 $0xFFFFCE00;
	s23 =	simm.s32 @p1 $0x960  }
0x144: {  	[spmem:s2] =	stream.indirect.scatter.add.f32 @p1 [tilespmem:s26], [sflag:$0x4], $0x10, s23, s16, $0xb8;
	[tilespmem:$0x1F780] =	vst v63  }
0x145: {  	p1 =	por p0, p0;
	_ =	swait.ge @!p0 [sflag:s28], $0x3200  }
0x146: {  	p4 =	seq.s32 s20, $0x0;
	[sflag:s28] =	ssyncset.done @!p1 $0x0  }
0x147: {  	s16 =	simm.s32 @!p4 $0x3;
	[sflag:s28] =	ssyncadd.s32 @!p1 $0xFFFFCE00  }
0x148: {  	s19 =	sadd.s32 $0x64, s19;
	_ =	swait.ge @!p4 [sflag:s16], $0x3200  }
0x149: {  	p2 =	sne.s32 s20, $0x0;
	[sflag:s16] =	ssyncset.done @!p4 $0x0  }
0x14a: {  	s20 =	simm.s32 @!p2 $0x320;
	[sflag:s16] =	ssyncadd.s32 @!p4 $0xFFFFCE00;
	s16 =	simm.s32 @!p2 $0x186A00  }
0x14b: {  	s23 =	simm.s32 @!p2 $0x640;
	s26 =	simm.s32 @!p2 $0xC80;
	s28 =	simm.s32 @!p2 $0x5  }
0x14c: {  	[tilespmem:s23], [sflag:$0x5] =	stream.strided.gather @!p2 [hbm4b:s19+s20], $0x640, s16, s20, $0x38;
	[tilespmem:$0x1F780] =	vst v63  }
0x14d: {  	_ =	swait.ge @!p2 [sflag:s28], $0x640  }
0x14e: {  	[sflag:s28] =	ssyncset.done @!p2 $0x0  }
0x14f: {  	s16 =	simm.s32 @!p2 $0x3E80;
	[sflag:s28] =	ssyncadd.s32 @!p2 $0xFFFFF9C0;
	s28 =	simm.s32 @p1 $0x5  }
0x150: {  	[tilespmem:s16], [sflag:$0x2] =	stream.indirect.gather @!p2 [hbm4b:s8+s20], $0x10, s23, s20, $0xb8;
	[tilespmem:$0x1F780] =	vst v63  }
0x151: {  	s29 =	simm.s32 @p1 $0x0;
	s16 =	simm.s32 @p1 $0x320;
	s23 =	simm.s32 @p1 $0x186A00  }
0x152: {  	[tilespmem:s29], [sflag:$0x5] =	stream.strided.gather @p1 [hbm4b:s19+s16], $0x640, s23, s16, $0x38;
	[tilespmem:$0x1F780] =	vst v63  }
0x153: {  	_ =	swait.ge @p1 [sflag:s28], $0x640  }
.Ltmp5:
0x154: {  	[sflag:s28] =	ssyncset.done @p1 $0x0;
	(pc) =	sbr.rel @p3 .LBB2_10-.Ltmp5, $4  }
0x155: {  	s23 =	simm.s32 @p1 $0xC80;
	[sflag:s28] =	ssyncadd.s32 @p1 $0xFFFFF9C0;
	s28 =	simm.s32 @!p2 $0x1  }
0x156: {  	[tilespmem:s23], [sflag:$0x1] =	stream.indirect.gather @p1 [hbm4b:s8+s16], $0x10, s29, s16, $0xb8;
	[tilespmem:$0x1F780] =	vst v63  }
0x157: {  	_ =	swait.ge @!p2 [sflag:s28], $0x3200  }
0x158: {  	s17 =	sadd.s32 $0xFFFFFF9C, s17;
	[sflag:s28] =	ssyncset.done @!p2 $0x0  }
.LBB2_11:
0x159: {  	[sflag:s28] =	ssyncadd.s32 @!p2 $0xFFFFCE00;
	s19 =	simm.s32 @p1 $0x2  }
0x15a: {  	[spmem:s2] =	stream.indirect.scatter.add.f32 @!p2 [tilespmem:s26], [sflag:$0x3], $0x10, s20, s20, $0xb8;
	[tilespmem:$0x1F780] =	vst v63  }
0x15b: {  	_ =	swait.ge @p1 [sflag:s19], $0x3200  }
0x15c: {  	[sflag:s19] =	ssyncset.done @p1 $0x0  }
0x15d: {  	s20 =	simm.s32 @p1 $0x3E80;
	[sflag:s19] =	ssyncadd.s32 @p1 $0xFFFFCE00;
	s19 =	simm.s32 @p1 $0x960  }
0x15e: {  	[spmem:s2] =	stream.indirect.scatter.add.f32 @p1 [tilespmem:s20], [sflag:$0x4], $0x10, s19, s16, $0xb8;
	[tilespmem:$0x1F780] =	vst v63  }
0x15f: {  	s26 =	rddreg [dreg:$0x5];
	s20 =	sadd.s32 $0x2, s15  }
0x160: {  	p5 =	slt.u32 s20, s26  }
0x161: {  	s28 =	sadd.s32 $0x1, s15;
	p6 =	por !p5, !p0  }
0x162: {  	s15 =	sand.u32 $0x1, s28;
	p3 =	por !p6, !p6  }
0x163: {  	p1 =	seq.s32 s15, $0x1;
	s19 =	simm.s32 @p3 $0x4  }
0x164: {  	p2 =	por !p5, !p1;
	_ =	swait.ge @p3 [sflag:s19], $0x3200  }
0x165: {  	p2 =	por !p2, !p2;
	[sflag:s19] =	ssyncset.done @p3 $0x0  }
0x166: {  	s15 =	simm.s32 @p2 $0x3;
	[sflag:s19] =	ssyncadd.s32 @p3 $0xFFFFCE00  }
0x167: {  	s17 =	sadd.s32 $0xFFFFFF9C, s17;
	_ =	swait.ge @p2 [sflag:s15], $0x3200  }
0x168: {  	s20 =	simm.s32 @p3 $0x186A00;
	s26 =	simm.s32 @p3 $0x640;
	[sflag:s15] =	ssyncset.done @p2 $0x0  }
0x169: {  	s19 =	simm.s32 @p3 $0x320;
	[sflag:s15] =	ssyncadd.s32 @p2 $0xFFFFCE00;
	s15 =	ssub.s32 @p3 $0x0, s17  }
0x16a: {  	[tilespmem:s26], [sflag:$0x5] =	stream.strided.gather @p3 [hbm4b:s15+s19], $0x640, s20, s19, $0x38;
	[tilespmem:$0x1F780] =	vst v63  }
0x16b: {  	s15 =	simm.s32 @p3 $0x5  }
0x16c: {  	_ =	swait.ge @p3 [sflag:s15], $0x640  }
0x16d: {  	[sflag:s15] =	ssyncset.done @p3 $0x0  }
0x16e: {  	s20 =	simm.s32 @p2 $0x0;
	[sflag:s15] =	ssyncadd.s32 @p3 $0xFFFFF9C0;
	s15 =	simm.s32 @p3 $0x3E80  }
0x16f: {  	[tilespmem:s15], [sflag:$0x2] =	stream.indirect.gather @p3 [hbm4b:s8+s19], $0x10, s26, s19, $0xb8;
	[tilespmem:$0x1F780] =	vst v63  }
0x170: {  	s15 =	ssub.s32 @p2 $0x0, s17;
	s17 =	simm.s32 @p2 $0x320;
	s19 =	simm.s32 @p2 $0x186A00  }
0x171: {  	[tilespmem:s20], [sflag:$0x5] =	stream.strided.gather @p2 [hbm4b:s15+s17], $0x640, s19, s17, $0x38;
	[tilespmem:$0x1F780] =	vst v63  }
0x172: {  	s15 =	simm.s32 @p2 $0x5  }
0x173: {  	_ =	swait.ge @p2 [sflag:s15], $0x640  }
0x174: {  	[sflag:s15] =	ssyncset.done @p2 $0x0  }
0x175: {  	[sflag:s15] =	ssyncadd.s32 @p2 $0xFFFFF9C0;
	s15 =	simm.s32 @p2 $0xC80  }
0x176: {  	[tilespmem:s15], [sflag:$0x1] =	stream.indirect.gather @p2 [hbm4b:s8+s17], $0x10, s20, s17, $0xb8;
	[tilespmem:$0x1F780] =	vst v63  }
0x177: {  	s15 =	simm.s32 @p0 $0x1  }
0x178: {  	_ =	swait.ge @p0 [sflag:s15], $0x3200  }
0x179: {  	[sflag:s15] =	ssyncset.done @p0 $0x0  }
0x17a: {  	[sflag:s15] =	ssyncadd.s32 @p0 $0xFFFFCE00;
	s15 =	simm.s32 @p1 $0x2  }
0x17b: {  	[spmem:s2] =	stream.indirect.scatter.add.f32 @p0 [tilespmem:s23], [sflag:$0x3], $0x10, s16, s16, $0xb8;
	[tilespmem:$0x1F780] =	vst v63  }
0x17c: {  	_ =	swait.ge @p1 [sflag:s15], $0x3200  }
0x17d: {  	s17 =	simm.s32 @p1 $0x3E80;
	[sflag:s15] =	ssyncset.done @p1 $0x0  }
0x17e: {  	s16 =	simm.s32 @p1 $0x960;
	[sflag:s15] =	ssyncadd.s32 @p1 $0xFFFFCE00;
	s15 =	simm.s32 @p1 $0x320  }
0x17f: {  	[spmem:s2] =	stream.indirect.scatter.add.f32 @p1 [tilespmem:s17], [sflag:$0x4], $0x10, s16, s15, $0xb8;
	[tilespmem:$0x1F780] =	vst v63  }
0x180: {  	_ =	swait.ge [sflag:s24], $0x3200  }
0x181: {  	[sflag:s24] =	ssyncset.done $0x0  }
0x182: {  	[sflag:s24] =	ssyncadd.s32 $0xFFFFCE00  }
0x183: {  	_ =	swait.ge [sflag:s12], $0x3200  }
0x184: {  	[sflag:s12] =	ssyncset.done $0x0  }
0x185: {  	[sflag:s12] =	ssyncadd.s32 $0xFFFFCE00  }
0x186: {  	s29 =	sadd.s32 $0x0, s22;
	[bflag:$0x0] =	sbarrier.arrive $0xFFFF  }
0x187: {  	[hbm:s29], [sflag:s13] =	dma.local [spmem:s14], $0x2E0  }
0x188: {  	_ =	swait.ge [sflag:s5], $0x2E0  }
0x189: {  	s15 =	sadd.s32 $0x1700, s10;
	s14 =	simm.s32 $0x2E0;
	[sflag:s5] =	ssyncset.done $0x0  }
.LBB2_12:
0x18a: {  	s16 =	sadd.s32 s14, s22  }
0x18b: {  	s17 =	sshrl.u32 s15, $0x3;
	[sflag:s5] =	ssyncadd.s32 $0xFFFFFD20;
	p0 =	sne.s32 s14, $0x2E00  }
0x18c: {  	[hbm:s16], [sflag:s13] =	dma.local [spmem:s17], $0x2E0  }
.Ltmp6:
0x18d: {  	_ = 	snop;
	(pc) =	sbr.rel @p0 .LBB2_12-.Ltmp6, $4  }
0x18e: {  	_ = 	snop  }
0x18f: {  	s14 =	sadd.s32 $0x2E0, s14  }
0x190: {  	_ =	swait.ge [sflag:s5], $0x2E0  }
0x191: {  	s15 =	sadd.s32 $0x1700, s15;
	[sflag:s5] =	ssyncset.done $0x0  }
0x192: {  	s4 =	sadd.s32 $0x1, s4;
	s13 =	rddreg [dreg:$0x8]  }
0x193: {  	p0 =	sne.s32 s4, s13  }
.Ltmp7:
0x194: {  	_ = 	snop;
	(pc) =	sbr.rel @p0 .LBB2_1-.Ltmp7, $2  }
0x195: {  	_ =	sdelay $0x2  }
0x196: {  	[sflag:s5] =	ssyncadd.s32 $0xFFFFFD20;
	s29 =	smov.u32 s30  }
0x197: {  	_ =	sfence.sel $0x180000  }
0x198: {  	[bflag:$0x0] =	sbarrier.arrive $0xFFFF  }
0x199: {  	_ =	strace $0x90000047  }
0x19a: {  	s0 =	stileid.u32;
	[bflag:$0x2] =	sbarrier.arrive $0xFFFF  }
0x19b: {  	p0 =	sne.s32 s0, $0x0;
	s0 =	rddreg [dreg:$0x4]  }
0x19c: {  	s0 =	sadd.s32 @!p0 $0x100000, s0  }
0x19d: {  	[sflag:s0] =	ssyncadd.tile.s32 @!p0 $0x1;
	_ =	shalt  }
.Lfunc_end2:
_tile_overlayer_lowered:
.L_overlay_start_2:
0x19e: {  	(tag) =	ssettag $0x2  }
0x19f: {  	s0 =	rddreg [dreg:$0x0];
	s2 =	stileid.u32  }
0x1a0: {  	s1 =	rddreg [dreg:$0x1];
	p0 =	sne.s32 s2, $0x0  }
0x1a1: {  	s3 =	rddreg [dreg:$0x2];
	[bflag:$0x3] =	sbarrier.arrive $0xFFFF;
	s2 =	simm.s32 @!p0 $0x1C05  }
0x1a2: {  	[timem:s3], [sflag:s2] =	dma.local @!p0 [hbm:s0], s1  }
0x1a3: {  	s0 =	simm.s32 @!p0 $0x5  }
0x1a4: {  	_ =	swait.ge @!p0 [sflag:s0], s1  }
0x1a5: {  	s1 =	ssub.s32 @!p0 $0x0, s1;
	[sflag:s0] =	ssyncset.done @!p0 $0x0  }
0x1a6: {  	[sflag:s0] =	ssyncadd.s32 @!p0 s1  }
0x1a7: {  	[bflag:$0x3] =	sbarrier.arrive $0xFFFF  }
0x1a8: {  	_ =	shalt  }

</sc_bundles>
